<compile_context>
chip_gen: v7x
topology: tpu7x:2x2x1
jax: 0.10.2.dev20260603
libtpu: 0.0.44.dev20260713+nightly
codegen_flags: <defaults>
</compile_context>

<pallas_src>
import functools

import jax
import jax.numpy as jnp
from jax import lax
from jax.experimental import pallas as pl
from jax.experimental.pallas import tpu as pltpu
from jax.experimental.pallas import tpu_sc as plsc


def _make_sc_kernel(B, S, D):
    info = plsc.get_sparse_core_info()
    NC, NS = info.num_cores, info.num_subcores
    NW = NC * NS
    rows_per_w = S // NW
    CH = 24
    chunks = []
    off = 0
    while off < rows_per_w:
        sz = min(CH, rows_per_w - off)
        chunks.append((off, sz))
        off += sz
    n_ch = len(chunks)
    mesh = plsc.VectorSubcoreMesh(core_axis_name="c", subcore_axis_name="s")

    NBUF = 2

    @functools.partial(
        pl.kernel,
        mesh=mesh,
        out_type=jax.ShapeDtypeStruct((B, S, D), jnp.float32),
        scratch_types=[pltpu.VMEM((CH, D), jnp.float32)] * NBUF
        + [pltpu.SemaphoreType.DMA] * (1 + NBUF),
    )
    def k(enc, out, *scratch):
        bufs = scratch[:NBUF]
        gsem = scratch[NBUF]
        ssems = scratch[NBUF + 1:]
        wid = lax.axis_index("s") * NC + lax.axis_index("c")
        base = wid * rows_per_w
        gathers = [None] * n_ch
        scatters = [None] * n_ch

        def start_gather(c):
            off, sz = chunks[c]
            row = base + off
            gathers[c] = pltpu.async_copy(
                enc.at[pl.ds(row, sz)], bufs[c % NBUF].at[pl.ds(0, sz)], gsem
            )

        def start_scatters(c):
            off, sz = chunks[c]
            row = base + off
            scatters[c] = [
                pltpu.async_copy(
                    bufs[c % NBUF].at[pl.ds(0, sz)],
                    out.at[b, pl.ds(row, sz)],
                    ssems[c % NBUF],
                )
                for b in range(B)
            ]

        for c in range(min(NBUF, n_ch)):
            start_gather(c)
        for c in range(n_ch):
            if c >= NBUF:
                for cp in scatters[c - NBUF]:
                    cp.wait()
                start_gather(c)
            gathers[c].wait()
            start_scatters(c)
        for c in range(max(0, n_ch - NBUF), n_ch):
            for cp in scatters[c]:
                cp.wait()

    return k


def kernel(x, encoding):
    B, S, D = x.shape
    return _make_sc_kernel(B, S, D)(encoding[:S])

# --- scband reference (transcript-rebuilt; emitter-appended) ---
"""Pipeline reference for scband-relative-positional-encoding-26551487823982 (READ-ONLY COPY).

The authoritative reference and input builder live on the scoring server;
editing this copy changes nothing except your own understanding.
"""

import jax, jax.numpy as jnp
import numpy as np

D_MODEL = 2048
MAX_LEN = 2048
BATCH = 4
SEQ = 2048


def setup_inputs(seed: int = 0) -> dict:
    key = jax.random.key(seed)
    k1, k2 = jax.random.split(key)
    x = jax.random.normal(k1, (BATCH, SEQ, D_MODEL), dtype=jnp.float32)
    encoding = jax.random.normal(k2, (MAX_LEN, D_MODEL), dtype=jnp.float32)
    return {"x": x, "encoding": encoding}


def reference(x, encoding):
    B = x.shape[0]
    S = x.shape[1]
    # positions = arange(S).view(-1,1).expand(-1,B).contiguous().view(-1)
    positions = jnp.arange(S)
    positions = jnp.broadcast_to(positions[:, None], (S, B)).reshape(-1)
    # encoding.index_select(0, positions).view(S, B, -1).permute(1, 0, 2)
    pos_enc = jnp.take(encoding, positions, axis=0).reshape(S, B, -1)
    pos_enc = jnp.transpose(pos_enc, (1, 0, 2))
    return pos_enc

if __name__ == "__main__":
    import jax
    _d = setup_inputs()
    print(jax.jit(kernel)(*tuple(_d.values())))

</pallas_src>

<mosaic_0001>
#map = affine_map<(d0, d1) -> (0, 0)>
#map1 = affine_map<(d0, d1) -> (0, 0, 0)>
module attributes {stable_mosaic.version = 14 : i64} {
  func.func @k(%arg0: i32, %arg1: i32, %arg2: memref<2048x2048xf32, #tpu.memory_space<hbm>>, %arg3: memref<4x2048x2048xf32, #tpu.memory_space<hbm>>, %arg4: memref<24x2048xf32, #tpu.memory_space<vmem>>, %arg5: memref<24x2048xf32, #tpu.memory_space<vmem>>, %arg6: memref<!tpu.dma_semaphore, #tpu.memory_space<semaphore_mem>>, %arg7: memref<!tpu.dma_semaphore, #tpu.memory_space<semaphore_mem>>, %arg8: memref<!tpu.dma_semaphore, #tpu.memory_space<semaphore_mem>>) attributes {dimension_semantics = [#tpu.dimension_semantics<core_parallel>, #tpu.dimension_semantics<subcore_parallel>], iteration_bounds = array<i64: 2, 16>, scalar_prefetch = 0 : i64, scratch_operands = 5 : i64, tpu.core_type = #tpu.core_type<sc_vector_subcore>, window_params = [{transform_indices = #map}, {transform_indices = #map1}]} {
    %mul3A = arith.constant 2 : i32
    %mul3A_0 = arith.muli %arg1, %mul3A : i32
    %add3A = arith.addi %mul3A_0, %arg0 : i32
    %mul3A_1 = arith.constant 64 : i32
    %mul3A_2 = arith.muli %add3A, %mul3A_1 : i32
    %add3A_3 = arith.constant 0 : i32
    %add3A_4 = arith.addi %mul3A_2, %add3A_3 : i32
    %dma_start3A = arith.constant 0 : i32
    %dma_start3A_5 = arith.constant 0 : i32
    %dma_start3A_6 = tpu.memref_slice %arg4[%dma_start3A, %dma_start3A_5] : memref<24x2048xf32, #tpu.memory_space<vmem>> -> memref<24x2048xf32, #tpu.memory_space<vmem>>
    %dma_start3A_7 = arith.constant 0 : i32
    %dma_start3A_8 = tpu.memref_slice %arg2[%add3A_4, %dma_start3A_7] : memref<2048x2048xf32, #tpu.memory_space<hbm>> -> memref<24x2048xf32, #tpu.memory_space<hbm>>
    %dma_start3A_9 = arith.constant 0 : i32
    %dma_start3A_10 = arith.constant 0 : i32
    %dma_start3A_11 = tpu.memref_slice %arg4[%dma_start3A_9, %dma_start3A_10] : memref<24x2048xf32, #tpu.memory_space<vmem>> -> memref<24x2048xf32, #tpu.memory_space<vmem>>
    %dma_start3A_12 = arith.constant 0 : i32
    %dma_start3A_13 = tpu.memref_slice %arg2[%add3A_4, %dma_start3A_12] : memref<2048x2048xf32, #tpu.memory_space<hbm>> -> memref<24x2048xf32, #tpu.memory_space<hbm>>
    tpu.enqueue_dma source(%dma_start3A_13 : memref<24x2048xf32, #tpu.memory_space<hbm>>) target(%dma_start3A_11 : memref<24x2048xf32, #tpu.memory_space<vmem>>) target_semaphore(%arg6 : memref<!tpu.dma_semaphore, #tpu.memory_space<semaphore_mem>>)
    %add3A_14 = arith.constant 24 : i32
    %add3A_15 = arith.addi %mul3A_2, %add3A_14 : i32
    %dma_start3A_16 = arith.constant 0 : i32
    %dma_start3A_17 = arith.constant 0 : i32
    %dma_start3A_18 = tpu.memref_slice %arg5[%dma_start3A_16, %dma_start3A_17] : memref<24x2048xf32, #tpu.memory_space<vmem>> -> memref<24x2048xf32, #tpu.memory_space<vmem>>
    %dma_start3A_19 = arith.constant 0 : i32
    %dma_start3A_20 = tpu.memref_slice %arg2[%add3A_15, %dma_start3A_19] : memref<2048x2048xf32, #tpu.memory_space<hbm>> -> memref<24x2048xf32, #tpu.memory_space<hbm>>
    %dma_start3A_21 = arith.constant 0 : i32
    %dma_start3A_22 = arith.constant 0 : i32
    %dma_start3A_23 = tpu.memref_slice %arg5[%dma_start3A_21, %dma_start3A_22] : memref<24x2048xf32, #tpu.memory_space<vmem>> -> memref<24x2048xf32, #tpu.memory_space<vmem>>
    %dma_start3A_24 = arith.constant 0 : i32
    %dma_start3A_25 = tpu.memref_slice %arg2[%add3A_15, %dma_start3A_24] : memref<2048x2048xf32, #tpu.memory_space<hbm>> -> memref<24x2048xf32, #tpu.memory_space<hbm>>
    tpu.enqueue_dma source(%dma_start3A_25 : memref<24x2048xf32, #tpu.memory_space<hbm>>) target(%dma_start3A_23 : memref<24x2048xf32, #tpu.memory_space<vmem>>) target_semaphore(%arg6 : memref<!tpu.dma_semaphore, #tpu.memory_space<semaphore_mem>>)
    %dma_wait3A = arith.constant 0 : i32
    %dma_wait3A_26 = arith.constant 0 : i32
    %dma_wait3A_27 = tpu.memref_slice %arg4[%dma_wait3A, %dma_wait3A_26] : memref<24x2048xf32, #tpu.memory_space<vmem>> -> memref<24x2048xf32, #tpu.memory_space<vmem>>
    %dma_wait3A_28 = arith.constant 0 : i32
    %dma_wait3A_29 = tpu.memref_slice %arg2[%add3A_4, %dma_wait3A_28] : memref<2048x2048xf32, #tpu.memory_space<hbm>> -> memref<24x2048xf32, #tpu.memory_space<hbm>>
    %dma_wait3A_30 = arith.constant 0 : i32
    %dma_wait3A_31 = arith.constant 0 : i32
    %dma_wait3A_32 = tpu.memref_slice %arg4[%dma_wait3A_30, %dma_wait3A_31] : memref<24x2048xf32, #tpu.memory_space<vmem>> -> memref<24x2048xf32, #tpu.memory_space<vmem>>
    %dma_wait3A_33 = arith.constant 0 : i32
    %dma_wait3A_34 = tpu.memref_slice %arg2[%add3A_4, %dma_wait3A_33] : memref<2048x2048xf32, #tpu.memory_space<hbm>> -> memref<24x2048xf32, #tpu.memory_space<hbm>>
    tpu.wait_dma2 semaphore(%arg6 : memref<!tpu.dma_semaphore, #tpu.memory_space<semaphore_mem>>) src(%dma_wait3A_34 : memref<24x2048xf32, #tpu.memory_space<hbm>>) dst(%dma_wait3A_32 : memref<24x2048xf32, #tpu.memory_space<vmem>>)
    %add3A_35 = arith.constant 0 : i32
    %add3A_36 = arith.addi %mul3A_2, %add3A_35 : i32
    %dma_start3A_37 = arith.constant 0 : i32
    %dma_start3A_38 = arith.constant 0 : i32
    %dma_start3A_39 = arith.constant 0 : i32
    %dma_start3A_40 = tpu.memref_slice %arg4[%dma_start3A_38, %dma_start3A_39] : memref<24x2048xf32, #tpu.memory_space<vmem>> -> memref<24x2048xf32, #tpu.memory_space<vmem>>
    %dma_start3A_41 = arith.constant 0 : i32
    %dma_start3A_42 = tpu.memref_slice %arg3[%dma_start3A_37, %add3A_36, %dma_start3A_41] : memref<4x2048x2048xf32, #tpu.memory_space<hbm>> -> memref<1x24x2048xf32, #tpu.memory_space<hbm>>
    %dma_start3A_43 = tpu.memref_squeeze %dma_start3A_42 : memref<1x24x2048xf32, #tpu.memory_space<hbm>> -> memref<24x2048xf32, #tpu.memory_space<hbm>>
    %dma_start3A_44 = arith.constant 0 : i32
    %dma_start3A_45 = tpu.memref_slice %arg3[%dma_start3A_37, %add3A_36, %dma_start3A_44] : memref<4x2048x2048xf32, #tpu.memory_space<hbm>> -> memref<1x24x2048xf32, #tpu.memory_space<hbm>>
    %dma_start3A_46 = tpu.memref_squeeze %dma_start3A_45 : memref<1x24x2048xf32, #tpu.memory_space<hbm>> -> memref<24x2048xf32, #tpu.memory_space<hbm>>
    %dma_start3A_47 = arith.constant 0 : i32
    %dma_start3A_48 = arith.constant 0 : i32
    %dma_start3A_49 = tpu.memref_slice %arg4[%dma_start3A_47, %dma_start3A_48] : memref<24x2048xf32, #tpu.memory_space<vmem>> -> memref<24x2048xf32, #tpu.memory_space<vmem>>
    tpu.enqueue_dma source(%dma_start3A_49 : memref<24x2048xf32, #tpu.memory_space<vmem>>) target(%dma_start3A_46 : memref<24x2048xf32, #tpu.memory_space<hbm>>) target_semaphore(%arg7 : memref<!tpu.dma_semaphore, #tpu.memory_space<semaphore_mem>>)
    %dma_start3A_50 = arith.constant 1 : i32
    %dma_start3A_51 = arith.constant 0 : i32
    %dma_start3A_52 = arith.constant 0 : i32
    %dma_start3A_53 = tpu.memref_slice %arg4[%dma_start3A_51, %dma_start3A_52] : memref<24x2048xf32, #tpu.memory_space<vmem>> -> memref<24x2048xf32, #tpu.memory_space<vmem>>
    %dma_start3A_54 = arith.constant 0 : i32
    %dma_start3A_55 = tpu.memref_slice %arg3[%dma_start3A_50, %add3A_36, %dma_start3A_54] : memref<4x2048x2048xf32, #tpu.memory_space<hbm>> -> memref<1x24x2048xf32, #tpu.memory_space<hbm>>
    %dma_start3A_56 = tpu.memref_squeeze %dma_start3A_55 : memref<1x24x2048xf32, #tpu.memory_space<hbm>> -> memref<24x2048xf32, #tpu.memory_space<hbm>>
    %dma_start3A_57 = arith.constant 0 : i32
    %dma_start3A_58 = tpu.memref_slice %arg3[%dma_start3A_50, %add3A_36, %dma_start3A_57] : memref<4x2048x2048xf32, #tpu.memory_space<hbm>> -> memref<1x24x2048xf32, #tpu.memory_space<hbm>>
    %dma_start3A_59 = tpu.memref_squeeze %dma_start3A_58 : memref<1x24x2048xf32, #tpu.memory_space<hbm>> -> memref<24x2048xf32, #tpu.memory_space<hbm>>
    %dma_start3A_60 = arith.constant 0 : i32
    %dma_start3A_61 = arith.constant 0 : i32
    %dma_start3A_62 = tpu.memref_slice %arg4[%dma_start3A_60, %dma_start3A_61] : memref<24x2048xf32, #tpu.memory_space<vmem>> -> memref<24x2048xf32, #tpu.memory_space<vmem>>
    tpu.enqueue_dma source(%dma_start3A_62 : memref<24x2048xf32, #tpu.memory_space<vmem>>) target(%dma_start3A_59 : memref<24x2048xf32, #tpu.memory_space<hbm>>) target_semaphore(%arg7 : memref<!tpu.dma_semaphore, #tpu.memory_space<semaphore_mem>>)
    %dma_start3A_63 = arith.constant 2 : i32
    %dma_start3A_64 = arith.constant 0 : i32
    %dma_start3A_65 = arith.constant 0 : i32
    %dma_start3A_66 = tpu.memref_slice %arg4[%dma_start3A_64, %dma_start3A_65] : memref<24x2048xf32, #tpu.memory_space<vmem>> -> memref<24x2048xf32, #tpu.memory_space<vmem>>
    %dma_start3A_67 = arith.constant 0 : i32
    %dma_start3A_68 = tpu.memref_slice %arg3[%dma_start3A_63, %add3A_36, %dma_start3A_67] : memref<4x2048x2048xf32, #tpu.memory_space<hbm>> -> memref<1x24x2048xf32, #tpu.memory_space<hbm>>
    %dma_start3A_69 = tpu.memref_squeeze %dma_start3A_68 : memref<1x24x2048xf32, #tpu.memory_space<hbm>> -> memref<24x2048xf32, #tpu.memory_space<hbm>>
    %dma_start3A_70 = arith.constant 0 : i32
    %dma_start3A_71 = tpu.memref_slice %arg3[%dma_start3A_63, %add3A_36, %dma_start3A_70] : memref<4x2048x2048xf32, #tpu.memory_space<hbm>> -> memref<1x24x2048xf32, #tpu.memory_space<hbm>>
    %dma_start3A_72 = tpu.memref_squeeze %dma_start3A_71 : memref<1x24x2048xf32, #tpu.memory_space<hbm>> -> memref<24x2048xf32, #tpu.memory_space<hbm>>
    %dma_start3A_73 = arith.constant 0 : i32
    %dma_start3A_74 = arith.constant 0 : i32
    %dma_start3A_75 = tpu.memref_slice %arg4[%dma_start3A_73, %dma_start3A_74] : memref<24x2048xf32, #tpu.memory_space<vmem>> -> memref<24x2048xf32, #tpu.memory_space<vmem>>
    tpu.enqueue_dma source(%dma_start3A_75 : memref<24x2048xf32, #tpu.memory_space<vmem>>) target(%dma_start3A_72 : memref<24x2048xf32, #tpu.memory_space<hbm>>) target_semaphore(%arg7 : memref<!tpu.dma_semaphore, #tpu.memory_space<semaphore_mem>>)
    %dma_start3A_76 = arith.constant 3 : i32
    %dma_start3A_77 = arith.constant 0 : i32
    %dma_start3A_78 = arith.constant 0 : i32
    %dma_start3A_79 = tpu.memref_slice %arg4[%dma_start3A_77, %dma_start3A_78] : memref<24x2048xf32, #tpu.memory_space<vmem>> -> memref<24x2048xf32, #tpu.memory_space<vmem>>
    %dma_start3A_80 = arith.constant 0 : i32
    %dma_start3A_81 = tpu.memref_slice %arg3[%dma_start3A_76, %add3A_36, %dma_start3A_80] : memref<4x2048x2048xf32, #tpu.memory_space<hbm>> -> memref<1x24x2048xf32, #tpu.memory_space<hbm>>
    %dma_start3A_82 = tpu.memref_squeeze %dma_start3A_81 : memref<1x24x2048xf32, #tpu.memory_space<hbm>> -> memref<24x2048xf32, #tpu.memory_space<hbm>>
    %dma_start3A_83 = arith.constant 0 : i32
    %dma_start3A_84 = tpu.memref_slice %arg3[%dma_start3A_76, %add3A_36, %dma_start3A_83] : memref<4x2048x2048xf32, #tpu.memory_space<hbm>> -> memref<1x24x2048xf32, #tpu.memory_space<hbm>>
    %dma_start3A_85 = tpu.memref_squeeze %dma_start3A_84 : memref<1x24x2048xf32, #tpu.memory_space<hbm>> -> memref<24x2048xf32, #tpu.memory_space<hbm>>
    %dma_start3A_86 = arith.constant 0 : i32
    %dma_start3A_87 = arith.constant 0 : i32
    %dma_start3A_88 = tpu.memref_slice %arg4[%dma_start3A_86, %dma_start3A_87] : memref<24x2048xf32, #tpu.memory_space<vmem>> -> memref<24x2048xf32, #tpu.memory_space<vmem>>
    tpu.enqueue_dma source(%dma_start3A_88 : memref<24x2048xf32, #tpu.memory_space<vmem>>) target(%dma_start3A_85 : memref<24x2048xf32, #tpu.memory_space<hbm>>) target_semaphore(%arg7 : memref<!tpu.dma_semaphore, #tpu.memory_space<semaphore_mem>>)
    %dma_wait3A_89 = arith.constant 0 : i32
    %dma_wait3A_90 = arith.constant 0 : i32
    %dma_wait3A_91 = tpu.memref_slice %arg5[%dma_wait3A_89, %dma_wait3A_90] : memref<24x2048xf32, #tpu.memory_space<vmem>> -> memref<24x2048xf32, #tpu.memory_space<vmem>>
    %dma_wait3A_92 = arith.constant 0 : i32
    %dma_wait3A_93 = tpu.memref_slice %arg2[%add3A_15, %dma_wait3A_92] : memref<2048x2048xf32, #tpu.memory_space<hbm>> -> memref<24x2048xf32, #tpu.memory_space<hbm>>
    %dma_wait3A_94 = arith.constant 0 : i32
    %dma_wait3A_95 = arith.constant 0 : i32
    %dma_wait3A_96 = tpu.memref_slice %arg5[%dma_wait3A_94, %dma_wait3A_95] : memref<24x2048xf32, #tpu.memory_space<vmem>> -> memref<24x2048xf32, #tpu.memory_space<vmem>>
    %dma_wait3A_97 = arith.constant 0 : i32
    %dma_wait3A_98 = tpu.memref_slice %arg2[%add3A_15, %dma_wait3A_97] : memref<2048x2048xf32, #tpu.memory_space<hbm>> -> memref<24x2048xf32, #tpu.memory_space<hbm>>
    tpu.wait_dma2 semaphore(%arg6 : memref<!tpu.dma_semaphore, #tpu.memory_space<semaphore_mem>>) src(%dma_wait3A_98 : memref<24x2048xf32, #tpu.memory_space<hbm>>) dst(%dma_wait3A_96 : memref<24x2048xf32, #tpu.memory_space<vmem>>)
    %add3A_99 = arith.constant 24 : i32
    %add3A_100 = arith.addi %mul3A_2, %add3A_99 : i32
    %dma_start3A_101 = arith.constant 0 : i32
    %dma_start3A_102 = arith.constant 0 : i32
    %dma_start3A_103 = arith.constant 0 : i32
    %dma_start3A_104 = tpu.memref_slice %arg5[%dma_start3A_102, %dma_start3A_103] : memref<24x2048xf32, #tpu.memory_space<vmem>> -> memref<24x2048xf32, #tpu.memory_space<vmem>>
    %dma_start3A_105 = arith.constant 0 : i32
    %dma_start3A_106 = tpu.memref_slice %arg3[%dma_start3A_101, %add3A_100, %dma_start3A_105] : memref<4x2048x2048xf32, #tpu.memory_space<hbm>> -> memref<1x24x2048xf32, #tpu.memory_space<hbm>>
    %dma_start3A_107 = tpu.memref_squeeze %dma_start3A_106 : memref<1x24x2048xf32, #tpu.memory_space<hbm>> -> memref<24x2048xf32, #tpu.memory_space<hbm>>
    %dma_start3A_108 = arith.constant 0 : i32
    %dma_start3A_109 = tpu.memref_slice %arg3[%dma_start3A_101, %add3A_100, %dma_start3A_108] : memref<4x2048x2048xf32, #tpu.memory_space<hbm>> -> memref<1x24x2048xf32, #tpu.memory_space<hbm>>
    %dma_start3A_110 = tpu.memref_squeeze %dma_start3A_109 : memref<1x24x2048xf32, #tpu.memory_space<hbm>> -> memref<24x2048xf32, #tpu.memory_space<hbm>>
    %dma_start3A_111 = arith.constant 0 : i32
    %dma_start3A_112 = arith.constant 0 : i32
    %dma_start3A_113 = tpu.memref_slice %arg5[%dma_start3A_111, %dma_start3A_112] : memref<24x2048xf32, #tpu.memory_space<vmem>> -> memref<24x2048xf32, #tpu.memory_space<vmem>>
    tpu.enqueue_dma source(%dma_start3A_113 : memref<24x2048xf32, #tpu.memory_space<vmem>>) target(%dma_start3A_110 : memref<24x2048xf32, #tpu.memory_space<hbm>>) target_semaphore(%arg8 : memref<!tpu.dma_semaphore, #tpu.memory_space<semaphore_mem>>)
    %dma_start3A_114 = arith.constant 1 : i32
    %dma_start3A_115 = arith.constant 0 : i32
    %dma_start3A_116 = arith.constant 0 : i32
    %dma_start3A_117 = tpu.memref_slice %arg5[%dma_start3A_115, %dma_start3A_116] : memref<24x2048xf32, #tpu.memory_space<vmem>> -> memref<24x2048xf32, #tpu.memory_space<vmem>>
    %dma_start3A_118 = arith.constant 0 : i32
    %dma_start3A_119 = tpu.memref_slice %arg3[%dma_start3A_114, %add3A_100, %dma_start3A_118] : memref<4x2048x2048xf32, #tpu.memory_space<hbm>> -> memref<1x24x2048xf32, #tpu.memory_space<hbm>>
    %dma_start3A_120 = tpu.memref_squeeze %dma_start3A_119 : memref<1x24x2048xf32, #tpu.memory_space<hbm>> -> memref<24x2048xf32, #tpu.memory_space<hbm>>
    %dma_start3A_121 = arith.constant 0 : i32
    %dma_start3A_122 = tpu.memref_slice %arg3[%dma_start3A_114, %add3A_100, %dma_start3A_121] : memref<4x2048x2048xf32, #tpu.memory_space<hbm>> -> memref<1x24x2048xf32, #tpu.memory_space<hbm>>
    %dma_start3A_123 = tpu.memref_squeeze %dma_start3A_122 : memref<1x24x2048xf32, #tpu.memory_space<hbm>> -> memref<24x2048xf32, #tpu.memory_space<hbm>>
    %dma_start3A_124 = arith.constant 0 : i32
    %dma_start3A_125 = arith.constant 0 : i32
    %dma_start3A_126 = tpu.memref_slice %arg5[%dma_start3A_124, %dma_start3A_125] : memref<24x2048xf32, #tpu.memory_space<vmem>> -> memref<24x2048xf32, #tpu.memory_space<vmem>>
    tpu.enqueue_dma source(%dma_start3A_126 : memref<24x2048xf32, #tpu.memory_space<vmem>>) target(%dma_start3A_123 : memref<24x2048xf32, #tpu.memory_space<hbm>>) target_semaphore(%arg8 : memref<!tpu.dma_semaphore, #tpu.memory_space<semaphore_mem>>)
    %dma_start3A_127 = arith.constant 2 : i32
    %dma_start3A_128 = arith.constant 0 : i32
    %dma_start3A_129 = arith.constant 0 : i32
    %dma_start3A_130 = tpu.memref_slice %arg5[%dma_start3A_128, %dma_start3A_129] : memref<24x2048xf32, #tpu.memory_space<vmem>> -> memref<24x2048xf32, #tpu.memory_space<vmem>>
    %dma_start3A_131 = arith.constant 0 : i32
    %dma_start3A_132 = tpu.memref_slice %arg3[%dma_start3A_127, %add3A_100, %dma_start3A_131] : memref<4x2048x2048xf32, #tpu.memory_space<hbm>> -> memref<1x24x2048xf32, #tpu.memory_space<hbm>>
    %dma_start3A_133 = tpu.memref_squeeze %dma_start3A_132 : memref<1x24x2048xf32, #tpu.memory_space<hbm>> -> memref<24x2048xf32, #tpu.memory_space<hbm>>
    %dma_start3A_134 = arith.constant 0 : i32
    %dma_start3A_135 = tpu.memref_slice %arg3[%dma_start3A_127, %add3A_100, %dma_start3A_134] : memref<4x2048x2048xf32, #tpu.memory_space<hbm>> -> memref<1x24x2048xf32, #tpu.memory_space<hbm>>
    %dma_start3A_136 = tpu.memref_squeeze %dma_start3A_135 : memref<1x24x2048xf32, #tpu.memory_space<hbm>> -> memref<24x2048xf32, #tpu.memory_space<hbm>>
    %dma_start3A_137 = arith.constant 0 : i32
    %dma_start3A_138 = arith.constant 0 : i32
    %dma_start3A_139 = tpu.memref_slice %arg5[%dma_start3A_137, %dma_start3A_138] : memref<24x2048xf32, #tpu.memory_space<vmem>> -> memref<24x2048xf32, #tpu.memory_space<vmem>>
    tpu.enqueue_dma source(%dma_start3A_139 : memref<24x2048xf32, #tpu.memory_space<vmem>>) target(%dma_start3A_136 : memref<24x2048xf32, #tpu.memory_space<hbm>>) target_semaphore(%arg8 : memref<!tpu.dma_semaphore, #tpu.memory_space<semaphore_mem>>)
    %dma_start3A_140 = arith.constant 3 : i32
    %dma_start3A_141 = arith.constant 0 : i32
    %dma_start3A_142 = arith.constant 0 : i32
    %dma_start3A_143 = tpu.memref_slice %arg5[%dma_start3A_141, %dma_start3A_142] : memref<24x2048xf32, #tpu.memory_space<vmem>> -> memref<24x2048xf32, #tpu.memory_space<vmem>>
    %dma_start3A_144 = arith.constant 0 : i32
    %dma_start3A_145 = tpu.memref_slice %arg3[%dma_start3A_140, %add3A_100, %dma_start3A_144] : memref<4x2048x2048xf32, #tpu.memory_space<hbm>> -> memref<1x24x2048xf32, #tpu.memory_space<hbm>>
    %dma_start3A_146 = tpu.memref_squeeze %dma_start3A_145 : memref<1x24x2048xf32, #tpu.memory_space<hbm>> -> memref<24x2048xf32, #tpu.memory_space<hbm>>
    %dma_start3A_147 = arith.constant 0 : i32
    %dma_start3A_148 = tpu.memref_slice %arg3[%dma_start3A_140, %add3A_100, %dma_start3A_147] : memref<4x2048x2048xf32, #tpu.memory_space<hbm>> -> memref<1x24x2048xf32, #tpu.memory_space<hbm>>
    %dma_start3A_149 = tpu.memref_squeeze %dma_start3A_148 : memref<1x24x2048xf32, #tpu.memory_space<hbm>> -> memref<24x2048xf32, #tpu.memory_space<hbm>>
    %dma_start3A_150 = arith.constant 0 : i32
    %dma_start3A_151 = arith.constant 0 : i32
    %dma_start3A_152 = tpu.memref_slice %arg5[%dma_start3A_150, %dma_start3A_151] : memref<24x2048xf32, #tpu.memory_space<vmem>> -> memref<24x2048xf32, #tpu.memory_space<vmem>>
    tpu.enqueue_dma source(%dma_start3A_152 : memref<24x2048xf32, #tpu.memory_space<vmem>>) target(%dma_start3A_149 : memref<24x2048xf32, #tpu.memory_space<hbm>>) target_semaphore(%arg8 : memref<!tpu.dma_semaphore, #tpu.memory_space<semaphore_mem>>)
    %dma_wait3A_153 = arith.constant 0 : i32
    %dma_wait3A_154 = arith.constant 0 : i32
    %dma_wait3A_155 = arith.constant 0 : i32
    %dma_wait3A_156 = tpu.memref_slice %arg4[%dma_wait3A_154, %dma_wait3A_155] : memref<24x2048xf32, #tpu.memory_space<vmem>> -> memref<24x2048xf32, #tpu.memory_space<vmem>>
    %dma_wait3A_157 = arith.constant 0 : i32
    %dma_wait3A_158 = tpu.memref_slice %arg3[%dma_wait3A_153, %add3A_36, %dma_wait3A_157] : memref<4x2048x2048xf32, #tpu.memory_space<hbm>> -> memref<1x24x2048xf32, #tpu.memory_space<hbm>>
    %dma_wait3A_159 = tpu.memref_squeeze %dma_wait3A_158 : memref<1x24x2048xf32, #tpu.memory_space<hbm>> -> memref<24x2048xf32, #tpu.memory_space<hbm>>
    %dma_wait3A_160 = arith.constant 0 : i32
    %dma_wait3A_161 = tpu.memref_slice %arg3[%dma_wait3A_153, %add3A_36, %dma_wait3A_160] : memref<4x2048x2048xf32, #tpu.memory_space<hbm>> -> memref<1x24x2048xf32, #tpu.memory_space<hbm>>
    %dma_wait3A_162 = tpu.memref_squeeze %dma_wait3A_161 : memref<1x24x2048xf32, #tpu.memory_space<hbm>> -> memref<24x2048xf32, #tpu.memory_space<hbm>>
    %dma_wait3A_163 = arith.constant 0 : i32
    %dma_wait3A_164 = arith.constant 0 : i32
    %dma_wait3A_165 = tpu.memref_slice %arg4[%dma_wait3A_163, %dma_wait3A_164] : memref<24x2048xf32, #tpu.memory_space<vmem>> -> memref<24x2048xf32, #tpu.memory_space<vmem>>
    tpu.wait_dma2 semaphore(%arg7 : memref<!tpu.dma_semaphore, #tpu.memory_space<semaphore_mem>>) src(%dma_wait3A_165 : memref<24x2048xf32, #tpu.memory_space<vmem>>) dst(%dma_wait3A_162 : memref<24x2048xf32, #tpu.memory_space<hbm>>)
    %dma_wait3A_166 = arith.constant 1 : i32
    %dma_wait3A_167 = arith.constant 0 : i32
    %dma_wait3A_168 = arith.constant 0 : i32
    %dma_wait3A_169 = tpu.memref_slice %arg4[%dma_wait3A_167, %dma_wait3A_168] : memref<24x2048xf32, #tpu.memory_space<vmem>> -> memref<24x2048xf32, #tpu.memory_space<vmem>>
    %dma_wait3A_170 = arith.constant 0 : i32
    %dma_wait3A_171 = tpu.memref_slice %arg3[%dma_wait3A_166, %add3A_36, %dma_wait3A_170] : memref<4x2048x2048xf32, #tpu.memory_space<hbm>> -> memref<1x24x2048xf32, #tpu.memory_space<hbm>>
    %dma_wait3A_172 = tpu.memref_squeeze %dma_wait3A_171 : memref<1x24x2048xf32, #tpu.memory_space<hbm>> -> memref<24x2048xf32, #tpu.memory_space<hbm>>
    %dma_wait3A_173 = arith.constant 0 : i32
    %dma_wait3A_174 = tpu.memref_slice %arg3[%dma_wait3A_166, %add3A_36, %dma_wait3A_173] : memref<4x2048x2048xf32, #tpu.memory_space<hbm>> -> memref<1x24x2048xf32, #tpu.memory_space<hbm>>
    %dma_wait3A_175 = tpu.memref_squeeze %dma_wait3A_174 : memref<1x24x2048xf32, #tpu.memory_space<hbm>> -> memref<24x2048xf32, #tpu.memory_space<hbm>>
    %dma_wait3A_176 = arith.constant 0 : i32
    %dma_wait3A_177 = arith.constant 0 : i32
    %dma_wait3A_178 = tpu.memref_slice %arg4[%dma_wait3A_176, %dma_wait3A_177] : memref<24x2048xf32, #tpu.memory_space<vmem>> -> memref<24x2048xf32, #tpu.memory_space<vmem>>
    tpu.wait_dma2 semaphore(%arg7 : memref<!tpu.dma_semaphore, #tpu.memory_space<semaphore_mem>>) src(%dma_wait3A_178 : memref<24x2048xf32, #tpu.memory_space<vmem>>) dst(%dma_wait3A_175 : memref<24x2048xf32, #tpu.memory_space<hbm>>)
    %dma_wait3A_179 = arith.constant 2 : i32
    %dma_wait3A_180 = arith.constant 0 : i32
    %dma_wait3A_181 = arith.constant 0 : i32
    %dma_wait3A_182 = tpu.memref_slice %arg4[%dma_wait3A_180, %dma_wait3A_181] : memref<24x2048xf32, #tpu.memory_space<vmem>> -> memref<24x2048xf32, #tpu.memory_space<vmem>>
    %dma_wait3A_183 = arith.constant 0 : i32
    %dma_wait3A_184 = tpu.memref_slice %arg3[%dma_wait3A_179, %add3A_36, %dma_wait3A_183] : memref<4x2048x2048xf32, #tpu.memory_space<hbm>> -> memref<1x24x2048xf32, #tpu.memory_space<hbm>>
    %dma_wait3A_185 = tpu.memref_squeeze %dma_wait3A_184 : memref<1x24x2048xf32, #tpu.memory_space<hbm>> -> memref<24x2048xf32, #tpu.memory_space<hbm>>
    %dma_wait3A_186 = arith.constant 0 : i32
    %dma_wait3A_187 = tpu.memref_slice %arg3[%dma_wait3A_179, %add3A_36, %dma_wait3A_186] : memref<4x2048x2048xf32, #tpu.memory_space<hbm>> -> memref<1x24x2048xf32, #tpu.memory_space<hbm>>
    %dma_wait3A_188 = tpu.memref_squeeze %dma_wait3A_187 : memref<1x24x2048xf32, #tpu.memory_space<hbm>> -> memref<24x2048xf32, #tpu.memory_space<hbm>>
    %dma_wait3A_189 = arith.constant 0 : i32
    %dma_wait3A_190 = arith.constant 0 : i32
    %dma_wait3A_191 = tpu.memref_slice %arg4[%dma_wait3A_189, %dma_wait3A_190] : memref<24x2048xf32, #tpu.memory_space<vmem>> -> memref<24x2048xf32, #tpu.memory_space<vmem>>
    tpu.wait_dma2 semaphore(%arg7 : memref<!tpu.dma_semaphore, #tpu.memory_space<semaphore_mem>>) src(%dma_wait3A_191 : memref<24x2048xf32, #tpu.memory_space<vmem>>) dst(%dma_wait3A_188 : memref<24x2048xf32, #tpu.memory_space<hbm>>)
    %dma_wait3A_192 = arith.constant 3 : i32
    %dma_wait3A_193 = arith.constant 0 : i32
    %dma_wait3A_194 = arith.constant 0 : i32
    %dma_wait3A_195 = tpu.memref_slice %arg4[%dma_wait3A_193, %dma_wait3A_194] : memref<24x2048xf32, #tpu.memory_space<vmem>> -> memref<24x2048xf32, #tpu.memory_space<vmem>>
    %dma_wait3A_196 = arith.constant 0 : i32
    %dma_wait3A_197 = tpu.memref_slice %arg3[%dma_wait3A_192, %add3A_36, %dma_wait3A_196] : memref<4x2048x2048xf32, #tpu.memory_space<hbm>> -> memref<1x24x2048xf32, #tpu.memory_space<hbm>>
    %dma_wait3A_198 = tpu.memref_squeeze %dma_wait3A_197 : memref<1x24x2048xf32, #tpu.memory_space<hbm>> -> memref<24x2048xf32, #tpu.memory_space<hbm>>
    %dma_wait3A_199 = arith.constant 0 : i32
    %dma_wait3A_200 = tpu.memref_slice %arg3[%dma_wait3A_192, %add3A_36, %dma_wait3A_199] : memref<4x2048x2048xf32, #tpu.memory_space<hbm>> -> memref<1x24x2048xf32, #tpu.memory_space<hbm>>
    %dma_wait3A_201 = tpu.memref_squeeze %dma_wait3A_200 : memref<1x24x2048xf32, #tpu.memory_space<hbm>> -> memref<24x2048xf32, #tpu.memory_space<hbm>>
    %dma_wait3A_202 = arith.constant 0 : i32
    %dma_wait3A_203 = arith.constant 0 : i32
    %dma_wait3A_204 = tpu.memref_slice %arg4[%dma_wait3A_202, %dma_wait3A_203] : memref<24x2048xf32, #tpu.memory_space<vmem>> -> memref<24x2048xf32, #tpu.memory_space<vmem>>
    tpu.wait_dma2 semaphore(%arg7 : memref<!tpu.dma_semaphore, #tpu.memory_space<semaphore_mem>>) src(%dma_wait3A_204 : memref<24x2048xf32, #tpu.memory_space<vmem>>) dst(%dma_wait3A_201 : memref<24x2048xf32, #tpu.memory_space<hbm>>)
    %add3A_205 = arith.constant 48 : i32
    %add3A_206 = arith.addi %mul3A_2, %add3A_205 : i32
    %dma_start3A_207 = arith.constant 0 : i32
    %dma_start3A_208 = arith.constant 0 : i32
    %dma_start3A_209 = tpu.memref_slice %arg4[%dma_start3A_207, %dma_start3A_208] : memref<24x2048xf32, #tpu.memory_space<vmem>> -> memref<16x2048xf32, #tpu.memory_space<vmem>>
    %dma_start3A_210 = arith.constant 0 : i32
    %dma_start3A_211 = tpu.memref_slice %arg2[%add3A_206, %dma_start3A_210] : memref<2048x2048xf32, #tpu.memory_space<hbm>> -> memref<16x2048xf32, #tpu.memory_space<hbm>>
    %dma_start3A_212 = arith.constant 0 : i32
    %dma_start3A_213 = arith.constant 0 : i32
    %dma_start3A_214 = tpu.memref_slice %arg4[%dma_start3A_212, %dma_start3A_213] : memref<24x2048xf32, #tpu.memory_space<vmem>> -> memref<16x2048xf32, #tpu.memory_space<vmem>>
    %dma_start3A_215 = arith.constant 0 : i32
    %dma_start3A_216 = tpu.memref_slice %arg2[%add3A_206, %dma_start3A_215] : memref<2048x2048xf32, #tpu.memory_space<hbm>> -> memref<16x2048xf32, #tpu.memory_space<hbm>>
    tpu.enqueue_dma source(%dma_start3A_216 : memref<16x2048xf32, #tpu.memory_space<hbm>>) target(%dma_start3A_214 : memref<16x2048xf32, #tpu.memory_space<vmem>>) target_semaphore(%arg6 : memref<!tpu.dma_semaphore, #tpu.memory_space<semaphore_mem>>)
    %dma_wait3A_217 = arith.constant 0 : i32
    %dma_wait3A_218 = arith.constant 0 : i32
    %dma_wait3A_219 = tpu.memref_slice %arg4[%dma_wait3A_217, %dma_wait3A_218] : memref<24x2048xf32, #tpu.memory_space<vmem>> -> memref<16x2048xf32, #tpu.memory_space<vmem>>
    %dma_wait3A_220 = arith.constant 0 : i32
    %dma_wait3A_221 = tpu.memref_slice %arg2[%add3A_206, %dma_wait3A_220] : memref<2048x2048xf32, #tpu.memory_space<hbm>> -> memref<16x2048xf32, #tpu.memory_space<hbm>>
    %dma_wait3A_222 = arith.constant 0 : i32
    %dma_wait3A_223 = arith.constant 0 : i32
    %dma_wait3A_224 = tpu.memref_slice %arg4[%dma_wait3A_222, %dma_wait3A_223] : memref<24x2048xf32, #tpu.memory_space<vmem>> -> memref<16x2048xf32, #tpu.memory_space<vmem>>
    %dma_wait3A_225 = arith.constant 0 : i32
    %dma_wait3A_226 = tpu.memref_slice %arg2[%add3A_206, %dma_wait3A_225] : memref<2048x2048xf32, #tpu.memory_space<hbm>> -> memref<16x2048xf32, #tpu.memory_space<hbm>>
    tpu.wait_dma2 semaphore(%arg6 : memref<!tpu.dma_semaphore, #tpu.memory_space<semaphore_mem>>) src(%dma_wait3A_226 : memref<16x2048xf32, #tpu.memory_space<hbm>>) dst(%dma_wait3A_224 : memref<16x2048xf32, #tpu.memory_space<vmem>>)
    %add3A_227 = arith.constant 48 : i32
    %add3A_228 = arith.addi %mul3A_2, %add3A_227 : i32
    %dma_start3A_229 = arith.constant 0 : i32
    %dma_start3A_230 = arith.constant 0 : i32
    %dma_start3A_231 = arith.constant 0 : i32
    %dma_start3A_232 = tpu.memref_slice %arg4[%dma_start3A_230, %dma_start3A_231] : memref<24x2048xf32, #tpu.memory_space<vmem>> -> memref<16x2048xf32, #tpu.memory_space<vmem>>
    %dma_start3A_233 = arith.constant 0 : i32
    %dma_start3A_234 = tpu.memref_slice %arg3[%dma_start3A_229, %add3A_228, %dma_start3A_233] : memref<4x2048x2048xf32, #tpu.memory_space<hbm>> -> memref<1x16x2048xf32, #tpu.memory_space<hbm>>
    %dma_start3A_235 = tpu.memref_squeeze %dma_start3A_234 : memref<1x16x2048xf32, #tpu.memory_space<hbm>> -> memref<16x2048xf32, #tpu.memory_space<hbm>>
    %dma_start3A_236 = arith.constant 0 : i32
    %dma_start3A_237 = tpu.memref_slice %arg3[%dma_start3A_229, %add3A_228, %dma_start3A_236] : memref<4x2048x2048xf32, #tpu.memory_space<hbm>> -> memref<1x16x2048xf32, #tpu.memory_space<hbm>>
    %dma_start3A_238 = tpu.memref_squeeze %dma_start3A_237 : memref<1x16x2048xf32, #tpu.memory_space<hbm>> -> memref<16x2048xf32, #tpu.memory_space<hbm>>
    %dma_start3A_239 = arith.constant 0 : i32
    %dma_start3A_240 = arith.constant 0 : i32
    %dma_start3A_241 = tpu.memref_slice %arg4[%dma_start3A_239, %dma_start3A_240] : memref<24x2048xf32, #tpu.memory_space<vmem>> -> memref<16x2048xf32, #tpu.memory_space<vmem>>
    tpu.enqueue_dma source(%dma_start3A_241 : memref<16x2048xf32, #tpu.memory_space<vmem>>) target(%dma_start3A_238 : memref<16x2048xf32, #tpu.memory_space<hbm>>) target_semaphore(%arg7 : memref<!tpu.dma_semaphore, #tpu.memory_space<semaphore_mem>>)
    %dma_start3A_242 = arith.constant 1 : i32
    %dma_start3A_243 = arith.constant 0 : i32
    %dma_start3A_244 = arith.constant 0 : i32
    %dma_start3A_245 = tpu.memref_slice %arg4[%dma_start3A_243, %dma_start3A_244] : memref<24x2048xf32, #tpu.memory_space<vmem>> -> memref<16x2048xf32, #tpu.memory_space<vmem>>
    %dma_start3A_246 = arith.constant 0 : i32
    %dma_start3A_247 = tpu.memref_slice %arg3[%dma_start3A_242, %add3A_228, %dma_start3A_246] : memref<4x2048x2048xf32, #tpu.memory_space<hbm>> -> memref<1x16x2048xf32, #tpu.memory_space<hbm>>
    %dma_start3A_248 = tpu.memref_squeeze %dma_start3A_247 : memref<1x16x2048xf32, #tpu.memory_space<hbm>> -> memref<16x2048xf32, #tpu.memory_space<hbm>>
    %dma_start3A_249 = arith.constant 0 : i32
    %dma_start3A_250 = tpu.memref_slice %arg3[%dma_start3A_242, %add3A_228, %dma_start3A_249] : memref<4x2048x2048xf32, #tpu.memory_space<hbm>> -> memref<1x16x2048xf32, #tpu.memory_space<hbm>>
    %dma_start3A_251 = tpu.memref_squeeze %dma_start3A_250 : memref<1x16x2048xf32, #tpu.memory_space<hbm>> -> memref<16x2048xf32, #tpu.memory_space<hbm>>
    %dma_start3A_252 = arith.constant 0 : i32
    %dma_start3A_253 = arith.constant 0 : i32
    %dma_start3A_254 = tpu.memref_slice %arg4[%dma_start3A_252, %dma_start3A_253] : memref<24x2048xf32, #tpu.memory_space<vmem>> -> memref<16x2048xf32, #tpu.memory_space<vmem>>
    tpu.enqueue_dma source(%dma_start3A_254 : memref<16x2048xf32, #tpu.memory_space<vmem>>) target(%dma_start3A_251 : memref<16x2048xf32, #tpu.memory_space<hbm>>) target_semaphore(%arg7 : memref<!tpu.dma_semaphore, #tpu.memory_space<semaphore_mem>>)
    %dma_start3A_255 = arith.constant 2 : i32
    %dma_start3A_256 = arith.constant 0 : i32
    %dma_start3A_257 = arith.constant 0 : i32
    %dma_start3A_258 = tpu.memref_slice %arg4[%dma_start3A_256, %dma_start3A_257] : memref<24x2048xf32, #tpu.memory_space<vmem>> -> memref<16x2048xf32, #tpu.memory_space<vmem>>
    %dma_start3A_259 = arith.constant 0 : i32
    %dma_start3A_260 = tpu.memref_slice %arg3[%dma_start3A_255, %add3A_228, %dma_start3A_259] : memref<4x2048x2048xf32, #tpu.memory_space<hbm>> -> memref<1x16x2048xf32, #tpu.memory_space<hbm>>
    %dma_start3A_261 = tpu.memref_squeeze %dma_start3A_260 : memref<1x16x2048xf32, #tpu.memory_space<hbm>> -> memref<16x2048xf32, #tpu.memory_space<hbm>>
    %dma_start3A_262 = arith.constant 0 : i32
    %dma_start3A_263 = tpu.memref_slice %arg3[%dma_start3A_255, %add3A_228, %dma_start3A_262] : memref<4x2048x2048xf32, #tpu.memory_space<hbm>> -> memref<1x16x2048xf32, #tpu.memory_space<hbm>>
    %dma_start3A_264 = tpu.memref_squeeze %dma_start3A_263 : memref<1x16x2048xf32, #tpu.memory_space<hbm>> -> memref<16x2048xf32, #tpu.memory_space<hbm>>
    %dma_start3A_265 = arith.constant 0 : i32
    %dma_start3A_266 = arith.constant 0 : i32
    %dma_start3A_267 = tpu.memref_slice %arg4[%dma_start3A_265, %dma_start3A_266] : memref<24x2048xf32, #tpu.memory_space<vmem>> -> memref<16x2048xf32, #tpu.memory_space<vmem>>
    tpu.enqueue_dma source(%dma_start3A_267 : memref<16x2048xf32, #tpu.memory_space<vmem>>) target(%dma_start3A_264 : memref<16x2048xf32, #tpu.memory_space<hbm>>) target_semaphore(%arg7 : memref<!tpu.dma_semaphore, #tpu.memory_space<semaphore_mem>>)
    %dma_start3A_268 = arith.constant 3 : i32
    %dma_start3A_269 = arith.constant 0 : i32
    %dma_start3A_270 = arith.constant 0 : i32
    %dma_start3A_271 = tpu.memref_slice %arg4[%dma_start3A_269, %dma_start3A_270] : memref<24x2048xf32, #tpu.memory_space<vmem>> -> memref<16x2048xf32, #tpu.memory_space<vmem>>
    %dma_start3A_272 = arith.constant 0 : i32
    %dma_start3A_273 = tpu.memref_slice %arg3[%dma_start3A_268, %add3A_228, %dma_start3A_272] : memref<4x2048x2048xf32, #tpu.memory_space<hbm>> -> memref<1x16x2048xf32, #tpu.memory_space<hbm>>
    %dma_start3A_274 = tpu.memref_squeeze %dma_start3A_273 : memref<1x16x2048xf32, #tpu.memory_space<hbm>> -> memref<16x2048xf32, #tpu.memory_space<hbm>>
    %dma_start3A_275 = arith.constant 0 : i32
    %dma_start3A_276 = tpu.memref_slice %arg3[%dma_start3A_268, %add3A_228, %dma_start3A_275] : memref<4x2048x2048xf32, #tpu.memory_space<hbm>> -> memref<1x16x2048xf32, #tpu.memory_space<hbm>>
    %dma_start3A_277 = tpu.memref_squeeze %dma_start3A_276 : memref<1x16x2048xf32, #tpu.memory_space<hbm>> -> memref<16x2048xf32, #tpu.memory_space<hbm>>
    %dma_start3A_278 = arith.constant 0 : i32
    %dma_start3A_279 = arith.constant 0 : i32
    %dma_start3A_280 = tpu.memref_slice %arg4[%dma_start3A_278, %dma_start3A_279] : memref<24x2048xf32, #tpu.memory_space<vmem>> -> memref<16x2048xf32, #tpu.memory_space<vmem>>
    tpu.enqueue_dma source(%dma_start3A_280 : memref<16x2048xf32, #tpu.memory_space<vmem>>) target(%dma_start3A_277 : memref<16x2048xf32, #tpu.memory_space<hbm>>) target_semaphore(%arg7 : memref<!tpu.dma_semaphore, #tpu.memory_space<semaphore_mem>>)
    %dma_wait3A_281 = arith.constant 0 : i32
    %dma_wait3A_282 = arith.constant 0 : i32
    %dma_wait3A_283 = arith.constant 0 : i32
    %dma_wait3A_284 = tpu.memref_slice %arg5[%dma_wait3A_282, %dma_wait3A_283] : memref<24x2048xf32, #tpu.memory_space<vmem>> -> memref<24x2048xf32, #tpu.memory_space<vmem>>
    %dma_wait3A_285 = arith.constant 0 : i32
    %dma_wait3A_286 = tpu.memref_slice %arg3[%dma_wait3A_281, %add3A_100, %dma_wait3A_285] : memref<4x2048x2048xf32, #tpu.memory_space<hbm>> -> memref<1x24x2048xf32, #tpu.memory_space<hbm>>
    %dma_wait3A_287 = tpu.memref_squeeze %dma_wait3A_286 : memref<1x24x2048xf32, #tpu.memory_space<hbm>> -> memref<24x2048xf32, #tpu.memory_space<hbm>>
    %dma_wait3A_288 = arith.constant 0 : i32
    %dma_wait3A_289 = tpu.memref_slice %arg3[%dma_wait3A_281, %add3A_100, %dma_wait3A_288] : memref<4x2048x2048xf32, #tpu.memory_space<hbm>> -> memref<1x24x2048xf32, #tpu.memory_space<hbm>>
    %dma_wait3A_290 = tpu.memref_squeeze %dma_wait3A_289 : memref<1x24x2048xf32, #tpu.memory_space<hbm>> -> memref<24x2048xf32, #tpu.memory_space<hbm>>
    %dma_wait3A_291 = arith.constant 0 : i32
    %dma_wait3A_292 = arith.constant 0 : i32
    %dma_wait3A_293 = tpu.memref_slice %arg5[%dma_wait3A_291, %dma_wait3A_292] : memref<24x2048xf32, #tpu.memory_space<vmem>> -> memref<24x2048xf32, #tpu.memory_space<vmem>>
    tpu.wait_dma2 semaphore(%arg8 : memref<!tpu.dma_semaphore, #tpu.memory_space<semaphore_mem>>) src(%dma_wait3A_293 : memref<24x2048xf32, #tpu.memory_space<vmem>>) dst(%dma_wait3A_290 : memref<24x2048xf32, #tpu.memory_space<hbm>>)
    %dma_wait3A_294 = arith.constant 1 : i32
    %dma_wait3A_295 = arith.constant 0 : i32
    %dma_wait3A_296 = arith.constant 0 : i32
    %dma_wait3A_297 = tpu.memref_slice %arg5[%dma_wait3A_295, %dma_wait3A_296] : memref<24x2048xf32, #tpu.memory_space<vmem>> -> memref<24x2048xf32, #tpu.memory_space<vmem>>
    %dma_wait3A_298 = arith.constant 0 : i32
    %dma_wait3A_299 = tpu.memref_slice %arg3[%dma_wait3A_294, %add3A_100, %dma_wait3A_298] : memref<4x2048x2048xf32, #tpu.memory_space<hbm>> -> memref<1x24x2048xf32, #tpu.memory_space<hbm>>
    %dma_wait3A_300 = tpu.memref_squeeze %dma_wait3A_299 : memref<1x24x2048xf32, #tpu.memory_space<hbm>> -> memref<24x2048xf32, #tpu.memory_space<hbm>>
    %dma_wait3A_301 = arith.constant 0 : i32
    %dma_wait3A_302 = tpu.memref_slice %arg3[%dma_wait3A_294, %add3A_100, %dma_wait3A_301] : memref<4x2048x2048xf32, #tpu.memory_space<hbm>> -> memref<1x24x2048xf32, #tpu.memory_space<hbm>>
    %dma_wait3A_303 = tpu.memref_squeeze %dma_wait3A_302 : memref<1x24x2048xf32, #tpu.memory_space<hbm>> -> memref<24x2048xf32, #tpu.memory_space<hbm>>
    %dma_wait3A_304 = arith.constant 0 : i32
    %dma_wait3A_305 = arith.constant 0 : i32
    %dma_wait3A_306 = tpu.memref_slice %arg5[%dma_wait3A_304, %dma_wait3A_305] : memref<24x2048xf32, #tpu.memory_space<vmem>> -> memref<24x2048xf32, #tpu.memory_space<vmem>>
    tpu.wait_dma2 semaphore(%arg8 : memref<!tpu.dma_semaphore, #tpu.memory_space<semaphore_mem>>) src(%dma_wait3A_306 : memref<24x2048xf32, #tpu.memory_space<vmem>>) dst(%dma_wait3A_303 : memref<24x2048xf32, #tpu.memory_space<hbm>>)
    %dma_wait3A_307 = arith.constant 2 : i32
    %dma_wait3A_308 = arith.constant 0 : i32
    %dma_wait3A_309 = arith.constant 0 : i32
    %dma_wait3A_310 = tpu.memref_slice %arg5[%dma_wait3A_308, %dma_wait3A_309] : memref<24x2048xf32, #tpu.memory_space<vmem>> -> memref<24x2048xf32, #tpu.memory_space<vmem>>
    %dma_wait3A_311 = arith.constant 0 : i32
    %dma_wait3A_312 = tpu.memref_slice %arg3[%dma_wait3A_307, %add3A_100, %dma_wait3A_311] : memref<4x2048x2048xf32, #tpu.memory_space<hbm>> -> memref<1x24x2048xf32, #tpu.memory_space<hbm>>
    %dma_wait3A_313 = tpu.memref_squeeze %dma_wait3A_312 : memref<1x24x2048xf32, #tpu.memory_space<hbm>> -> memref<24x2048xf32, #tpu.memory_space<hbm>>
    %dma_wait3A_314 = arith.constant 0 : i32
    %dma_wait3A_315 = tpu.memref_slice %arg3[%dma_wait3A_307, %add3A_100, %dma_wait3A_314] : memref<4x2048x2048xf32, #tpu.memory_space<hbm>> -> memref<1x24x2048xf32, #tpu.memory_space<hbm>>
    %dma_wait3A_316 = tpu.memref_squeeze %dma_wait3A_315 : memref<1x24x2048xf32, #tpu.memory_space<hbm>> -> memref<24x2048xf32, #tpu.memory_space<hbm>>
    %dma_wait3A_317 = arith.constant 0 : i32
    %dma_wait3A_318 = arith.constant 0 : i32
    %dma_wait3A_319 = tpu.memref_slice %arg5[%dma_wait3A_317, %dma_wait3A_318] : memref<24x2048xf32, #tpu.memory_space<vmem>> -> memref<24x2048xf32, #tpu.memory_space<vmem>>
    tpu.wait_dma2 semaphore(%arg8 : memref<!tpu.dma_semaphore, #tpu.memory_space<semaphore_mem>>) src(%dma_wait3A_319 : memref<24x2048xf32, #tpu.memory_space<vmem>>) dst(%dma_wait3A_316 : memref<24x2048xf32, #tpu.memory_space<hbm>>)
    %dma_wait3A_320 = arith.constant 3 : i32
    %dma_wait3A_321 = arith.constant 0 : i32
    %dma_wait3A_322 = arith.constant 0 : i32
    %dma_wait3A_323 = tpu.memref_slice %arg5[%dma_wait3A_321, %dma_wait3A_322] : memref<24x2048xf32, #tpu.memory_space<vmem>> -> memref<24x2048xf32, #tpu.memory_space<vmem>>
    %dma_wait3A_324 = arith.constant 0 : i32
    %dma_wait3A_325 = tpu.memref_slice %arg3[%dma_wait3A_320, %add3A_100, %dma_wait3A_324] : memref<4x2048x2048xf32, #tpu.memory_space<hbm>> -> memref<1x24x2048xf32, #tpu.memory_space<hbm>>
    %dma_wait3A_326 = tpu.memref_squeeze %dma_wait3A_325 : memref<1x24x2048xf32, #tpu.memory_space<hbm>> -> memref<24x2048xf32, #tpu.memory_space<hbm>>
    %dma_wait3A_327 = arith.constant 0 : i32
    %dma_wait3A_328 = tpu.memref_slice %arg3[%dma_wait3A_320, %add3A_100, %dma_wait3A_327] : memref<4x2048x2048xf32, #tpu.memory_space<hbm>> -> memref<1x24x2048xf32, #tpu.memory_space<hbm>>
    %dma_wait3A_329 = tpu.memref_squeeze %dma_wait3A_328 : memref<1x24x2048xf32, #tpu.memory_space<hbm>> -> memref<24x2048xf32, #tpu.memory_space<hbm>>
    %dma_wait3A_330 = arith.constant 0 : i32
    %dma_wait3A_331 = arith.constant 0 : i32
    %dma_wait3A_332 = tpu.memref_slice %arg5[%dma_wait3A_330, %dma_wait3A_331] : memref<24x2048xf32, #tpu.memory_space<vmem>> -> memref<24x2048xf32, #tpu.memory_space<vmem>>
    tpu.wait_dma2 semaphore(%arg8 : memref<!tpu.dma_semaphore, #tpu.memory_space<semaphore_mem>>) src(%dma_wait3A_332 : memref<24x2048xf32, #tpu.memory_space<vmem>>) dst(%dma_wait3A_329 : memref<24x2048xf32, #tpu.memory_space<hbm>>)
    %dma_wait3A_333 = arith.constant 0 : i32
    %dma_wait3A_334 = arith.constant 0 : i32
    %dma_wait3A_335 = arith.constant 0 : i32
    %dma_wait3A_336 = tpu.memref_slice %arg4[%dma_wait3A_334, %dma_wait3A_335] : memref<24x2048xf32, #tpu.memory_space<vmem>> -> memref<16x2048xf32, #tpu.memory_space<vmem>>
    %dma_wait3A_337 = arith.constant 0 : i32
    %dma_wait3A_338 = tpu.memref_slice %arg3[%dma_wait3A_333, %add3A_228, %dma_wait3A_337] : memref<4x2048x2048xf32, #tpu.memory_space<hbm>> -> memref<1x16x2048xf32, #tpu.memory_space<hbm>>
    %dma_wait3A_339 = tpu.memref_squeeze %dma_wait3A_338 : memref<1x16x2048xf32, #tpu.memory_space<hbm>> -> memref<16x2048xf32, #tpu.memory_space<hbm>>
    %dma_wait3A_340 = arith.constant 0 : i32
    %dma_wait3A_341 = tpu.memref_slice %arg3[%dma_wait3A_333, %add3A_228, %dma_wait3A_340] : memref<4x2048x2048xf32, #tpu.memory_space<hbm>> -> memref<1x16x2048xf32, #tpu.memory_space<hbm>>
    %dma_wait3A_342 = tpu.memref_squeeze %dma_wait3A_341 : memref<1x16x2048xf32, #tpu.memory_space<hbm>> -> memref<16x2048xf32, #tpu.memory_space<hbm>>
    %dma_wait3A_343 = arith.constant 0 : i32
    %dma_wait3A_344 = arith.constant 0 : i32
    %dma_wait3A_345 = tpu.memref_slice %arg4[%dma_wait3A_343, %dma_wait3A_344] : memref<24x2048xf32, #tpu.memory_space<vmem>> -> memref<16x2048xf32, #tpu.memory_space<vmem>>
    tpu.wait_dma2 semaphore(%arg7 : memref<!tpu.dma_semaphore, #tpu.memory_space<semaphore_mem>>) src(%dma_wait3A_345 : memref<16x2048xf32, #tpu.memory_space<vmem>>) dst(%dma_wait3A_342 : memref<16x2048xf32, #tpu.memory_space<hbm>>)
    %dma_wait3A_346 = arith.constant 1 : i32
    %dma_wait3A_347 = arith.constant 0 : i32
    %dma_wait3A_348 = arith.constant 0 : i32
    %dma_wait3A_349 = tpu.memref_slice %arg4[%dma_wait3A_347, %dma_wait3A_348] : memref<24x2048xf32, #tpu.memory_space<vmem>> -> memref<16x2048xf32, #tpu.memory_space<vmem>>
    %dma_wait3A_350 = arith.constant 0 : i32
    %dma_wait3A_351 = tpu.memref_slice %arg3[%dma_wait3A_346, %add3A_228, %dma_wait3A_350] : memref<4x2048x2048xf32, #tpu.memory_space<hbm>> -> memref<1x16x2048xf32, #tpu.memory_space<hbm>>
    %dma_wait3A_352 = tpu.memref_squeeze %dma_wait3A_351 : memref<1x16x2048xf32, #tpu.memory_space<hbm>> -> memref<16x2048xf32, #tpu.memory_space<hbm>>
    %dma_wait3A_353 = arith.constant 0 : i32
    %dma_wait3A_354 = tpu.memref_slice %arg3[%dma_wait3A_346, %add3A_228, %dma_wait3A_353] : memref<4x2048x2048xf32, #tpu.memory_space<hbm>> -> memref<1x16x2048xf32, #tpu.memory_space<hbm>>
    %dma_wait3A_355 = tpu.memref_squeeze %dma_wait3A_354 : memref<1x16x2048xf32, #tpu.memory_space<hbm>> -> memref<16x2048xf32, #tpu.memory_space<hbm>>
    %dma_wait3A_356 = arith.constant 0 : i32
    %dma_wait3A_357 = arith.constant 0 : i32
    %dma_wait3A_358 = tpu.memref_slice %arg4[%dma_wait3A_356, %dma_wait3A_357] : memref<24x2048xf32, #tpu.memory_space<vmem>> -> memref<16x2048xf32, #tpu.memory_space<vmem>>
    tpu.wait_dma2 semaphore(%arg7 : memref<!tpu.dma_semaphore, #tpu.memory_space<semaphore_mem>>) src(%dma_wait3A_358 : memref<16x2048xf32, #tpu.memory_space<vmem>>) dst(%dma_wait3A_355 : memref<16x2048xf32, #tpu.memory_space<hbm>>)
    %dma_wait3A_359 = arith.constant 2 : i32
    %dma_wait3A_360 = arith.constant 0 : i32
    %dma_wait3A_361 = arith.constant 0 : i32
    %dma_wait3A_362 = tpu.memref_slice %arg4[%dma_wait3A_360, %dma_wait3A_361] : memref<24x2048xf32, #tpu.memory_space<vmem>> -> memref<16x2048xf32, #tpu.memory_space<vmem>>
    %dma_wait3A_363 = arith.constant 0 : i32
    %dma_wait3A_364 = tpu.memref_slice %arg3[%dma_wait3A_359, %add3A_228, %dma_wait3A_363] : memref<4x2048x2048xf32, #tpu.memory_space<hbm>> -> memref<1x16x2048xf32, #tpu.memory_space<hbm>>
    %dma_wait3A_365 = tpu.memref_squeeze %dma_wait3A_364 : memref<1x16x2048xf32, #tpu.memory_space<hbm>> -> memref<16x2048xf32, #tpu.memory_space<hbm>>
    %dma_wait3A_366 = arith.constant 0 : i32
    %dma_wait3A_367 = tpu.memref_slice %arg3[%dma_wait3A_359, %add3A_228, %dma_wait3A_366] : memref<4x2048x2048xf32, #tpu.memory_space<hbm>> -> memref<1x16x2048xf32, #tpu.memory_space<hbm>>
    %dma_wait3A_368 = tpu.memref_squeeze %dma_wait3A_367 : memref<1x16x2048xf32, #tpu.memory_space<hbm>> -> memref<16x2048xf32, #tpu.memory_space<hbm>>
    %dma_wait3A_369 = arith.constant 0 : i32
    %dma_wait3A_370 = arith.constant 0 : i32
    %dma_wait3A_371 = tpu.memref_slice %arg4[%dma_wait3A_369, %dma_wait3A_370] : memref<24x2048xf32, #tpu.memory_space<vmem>> -> memref<16x2048xf32, #tpu.memory_space<vmem>>
    tpu.wait_dma2 semaphore(%arg7 : memref<!tpu.dma_semaphore, #tpu.memory_space<semaphore_mem>>) src(%dma_wait3A_371 : memref<16x2048xf32, #tpu.memory_space<vmem>>) dst(%dma_wait3A_368 : memref<16x2048xf32, #tpu.memory_space<hbm>>)
    %dma_wait3A_372 = arith.constant 3 : i32
    %dma_wait3A_373 = arith.constant 0 : i32
    %dma_wait3A_374 = arith.constant 0 : i32
    %dma_wait3A_375 = tpu.memref_slice %arg4[%dma_wait3A_373, %dma_wait3A_374] : memref<24x2048xf32, #tpu.memory_space<vmem>> -> memref<16x2048xf32, #tpu.memory_space<vmem>>
    %dma_wait3A_376 = arith.constant 0 : i32
    %dma_wait3A_377 = tpu.memref_slice %arg3[%dma_wait3A_372, %add3A_228, %dma_wait3A_376] : memref<4x2048x2048xf32, #tpu.memory_space<hbm>> -> memref<1x16x2048xf32, #tpu.memory_space<hbm>>
    %dma_wait3A_378 = tpu.memref_squeeze %dma_wait3A_377 : memref<1x16x2048xf32, #tpu.memory_space<hbm>> -> memref<16x2048xf32, #tpu.memory_space<hbm>>
    %dma_wait3A_379 = arith.constant 0 : i32
    %dma_wait3A_380 = tpu.memref_slice %arg3[%dma_wait3A_372, %add3A_228, %dma_wait3A_379] : memref<4x2048x2048xf32, #tpu.memory_space<hbm>> -> memref<1x16x2048xf32, #tpu.memory_space<hbm>>
    %dma_wait3A_381 = tpu.memref_squeeze %dma_wait3A_380 : memref<1x16x2048xf32, #tpu.memory_space<hbm>> -> memref<16x2048xf32, #tpu.memory_space<hbm>>
    %dma_wait3A_382 = arith.constant 0 : i32
    %dma_wait3A_383 = arith.constant 0 : i32
    %dma_wait3A_384 = tpu.memref_slice %arg4[%dma_wait3A_382, %dma_wait3A_383] : memref<24x2048xf32, #tpu.memory_space<vmem>> -> memref<16x2048xf32, #tpu.memory_space<vmem>>
    tpu.wait_dma2 semaphore(%arg7 : memref<!tpu.dma_semaphore, #tpu.memory_space<semaphore_mem>>) src(%dma_wait3A_384 : memref<16x2048xf32, #tpu.memory_space<vmem>>) dst(%dma_wait3A_381 : memref<16x2048xf32, #tpu.memory_space<hbm>>)
    return
  }
}

</mosaic_0001>

<sc_bundles>
// kernel: kernel.3.cloned.1.call-start
scs
__scs_entry_jumppad:
0x0: {  	(pc) =	sbr.rel $0x88, $3  }
0x1: {  	(tag) =	ssettag $0x0;
	lr =	simm.s32 $0x1  }
0x2: {  	[smem:$0x3FA0] =	sst lr;
	_ =	strace $0xD0000000  }
0x3: {  	_ = 	snop  }
0x4: {  	_ = 	snop  }
0x5: {  	_ = 	snop  }
0x6: {  	_ = 	snop  }
0x7: {  	_ = 	snop  }
__scs_overlays_trampoline_lowered:
0x8: {  	[smem:$0x3FAF] =	sst s0  }
0x9: {  	[smem:$0x3FB0] =	sst s1  }
0xa: {  	[smem:$0x3FB1] =	sst s2  }
0xb: {  	[smem:$0x3FB2] =	sst s3  }
0xc: {  	[smem:$0x3FB3] =	sst s4  }
0xd: {  	[smem:$0x3FB4] =	sst s5  }
0xe: {  	[smem:$0x3FB5] =	sst s6  }
0xf: {  	[smem:$0x3FB6] =	sst s7  }
0x10: {  	[smem:$0x3FB7] =	sst s8  }
0x11: {  	[smem:$0x3FB8] =	sst s9;
	s0 =	simm.s32 @!p0 $0x0  }
0x12: {  	s1 =	sld [smem:$0x3F9E];
	s0 =	simm.s32 @p0 $0x1  }
0x13: {  	[smem:$0x3FB9] =	sst s0;
	s0 =	simm.s32 @!p1 $0x0  }
0x14: {  	s2 =	sld [smem:$0x3F9D];
	s0 =	simm.s32 @p1 $0x1  }
0x15: {  	[smem:$0x3FBA] =	sst s0;
	s0 =	simm.s32 @!p2 $0x0  }
0x16: {  	s3 =	sld [smem:$0x3FDB];
	s0 =	simm.s32 @p2 $0x1  }
0x17: {  	s4 =	simm.s32 $0x1BF5;
	[smem:$0x3FBC] =	sst s0  }
0x18: {  	s0 =	sld [smem:$0x3F9F];
	_ =	swait.ge [sflag:s4], $0x0  }
0x19: {  	s7 =	sld [smem:$0x3FA0]  }
0x1a: {  	s8 =	sadd.s32 $0xFFFFE003, lr  }
0x1b: {  	s9 =	sadd.s32 $0xFFFFFEF7, lr;
	s5 =	simm.s32 $0xFFFFFFFF;
	p2 =	slt.u32 s8, $0xFFFFF086  }
0x1c: {  	p1 =	slt.u32 s9, $0xF7A;
	s5 =	simm.s32 @!p2 $0x0  }
0x1d: {  	s5 =	simm.s32 @p1 $0x1;
	p0 =	seq.s32 s7, s2  }
0x1e: {  	s7 =	smul.u32 @!p0 $0xF7A, s2;
	p2 =	seq.s32 @!p0 s5, $0x0  }
0x1f: {  	s9 =	smul.u32 $0xF7A, s1;
	s8 =	simm.s32 @!p0 $0x1BF5;
	p2 =	por !p2, p0  }
0x20: {  	[sflag:s8] =	ssyncset.s32 @!p0 $0xFFFFF086;
	s6 =	sadd.s32 @!p0 s3, s7;
	s7 =	simm.s32 @!p0 $0x108  }
0x21: {  	s3 =	sadd.s32 s3, s9;
	s6 =	sadd.s32 @!p0 $0x88, s6;
	s7 =	simm.s32 @p2 $0x1082  }
0x22: {  	[simem:s7], [sflag:s8] =	dma.local @!p0 [hbm:s6], $0xF7A  }
0x23: {  	s9 =	sor.u32 $0xD0000000, s2;
	s6 =	simm.s32 $0x108;
	_ =	swait.ge @!p0 [sflag:s8], $0x0  }
0x24: {  	s3 =	sadd.s32 $0x88, s3;
	s6 =	simm.s32 @!p1 $0x1082;
	[sflag:s4] =	ssyncset.s32 $0xFFFFF086  }
0x25: {  	[simem:s6], [sflag:s4] =	dma.local [hbm:s3], $0xF7A  }
0x26: {  	[smem:$0x3FA0] =	sst s1;
	(tag) =	ssettag s2;
	_ =	strace s9  }
0x27: {  	s1 =	sld [smem:$0x3FB0]  }
0x28: {  	s2 =	sld [smem:$0x3FB1]  }
0x29: {  	s4 =	sld [smem:$0x3FB3]  }
0x2a: {  	p0 =	seq.s32 s5, $0x0;
	s5 =	sld [smem:$0x3FB4]  }
0x2b: {  	s6 =	sld [smem:$0x3FB5]  }
0x2c: {  	s7 =	sld [smem:$0x3FB6]  }
0x2d: {  	s3 =	simm.s32 $0x108;
	s8 =	sld [smem:$0x3FB7]  }
0x2e: {  	s3 =	simm.s32 @!p0 $0x1082;
	s9 =	sld [smem:$0x3FB8]  }
0x2f: {  	lr =	sadd.s32 s0, s3;
	s0 =	sld [smem:$0x3FAF]  }
0x30: {  	s3 =	sld [smem:$0x3FB2]  }
0x31: {  	[smem:$0x3FBB] =	sst s10  }
0x32: {  	s10 =	sld [smem:$0x3FB9];
	_ =	sdelay $0x3  }
0x33: {  	p0 =	seq.s32 s10, $0x1;
	s10 =	sld [smem:$0x3FBB];
	_ =	sdelay $0x3  }
0x34: {  	[smem:$0x3FBB] =	sst s10  }
0x35: {  	s10 =	sld [smem:$0x3FBA];
	_ =	sdelay $0x3  }
0x36: {  	p1 =	seq.s32 s10, $0x1;
	s10 =	sld [smem:$0x3FBB];
	_ =	sdelay $0x3  }
0x37: {  	[smem:$0x3FBB] =	sst s10  }
0x38: {  	s10 =	sld [smem:$0x3FBC]  }
0x39: {  	_ = 	snop;
	(pc) =	sbr.ind lr, $3  }
0x3a: {  	_ = 	snop  }
0x3b: {  	_ = 	snop  }
0x3c: {  	p2 =	seq.s32 s10, $0x1;
	s10 =	sld [smem:$0x3FBB]  }
0x3d: {  	_ =	shalt  }
0x3e: {  	_ =	shalt  }
0x3f: {  	_ =	shalt  }
0x40: {  	_ =	shalt  }
0x41: {  	_ =	shalt  }
0x42: {  	_ =	shalt  }
0x43: {  	_ =	shalt  }
0x44: {  	_ =	shalt  }
0x45: {  	_ =	shalt  }
0x46: {  	_ =	shalt  }
0x47: {  	_ =	shalt  }
0x48: {  	_ =	shalt  }
0x49: {  	_ =	shalt  }
0x4a: {  	_ =	shalt  }
0x4b: {  	_ =	shalt  }
0x4c: {  	_ =	shalt  }
0x4d: {  	_ =	shalt  }
0x4e: {  	_ =	shalt  }
0x4f: {  	_ =	shalt  }
0x50: {  	_ =	shalt  }
0x51: {  	_ =	shalt  }
0x52: {  	_ =	shalt  }
0x53: {  	_ =	shalt  }
0x54: {  	_ =	shalt  }
0x55: {  	_ =	shalt  }
0x56: {  	_ =	shalt  }
0x57: {  	_ =	shalt  }
0x58: {  	_ =	shalt  }
0x59: {  	_ =	shalt  }
0x5a: {  	_ =	shalt  }
0x5b: {  	_ =	shalt  }
0x5c: {  	_ =	shalt  }
0x5d: {  	_ =	shalt  }
0x5e: {  	_ =	shalt  }
0x5f: {  	_ =	shalt  }
0x60: {  	_ =	shalt  }
0x61: {  	_ =	shalt  }
0x62: {  	_ =	shalt  }
0x63: {  	_ =	shalt  }
0x64: {  	_ =	shalt  }
0x65: {  	_ =	shalt  }
0x66: {  	_ =	shalt  }
0x67: {  	_ =	shalt  }
0x68: {  	_ =	shalt  }
0x69: {  	_ =	shalt  }
0x6a: {  	_ =	shalt  }
0x6b: {  	_ =	shalt  }
0x6c: {  	_ =	shalt  }
0x6d: {  	_ =	shalt  }
0x6e: {  	_ =	shalt  }
0x6f: {  	_ =	shalt  }
0x70: {  	_ =	shalt  }
0x71: {  	_ =	shalt  }
0x72: {  	_ =	shalt  }
0x73: {  	_ =	shalt  }
0x74: {  	_ =	shalt  }
0x75: {  	_ =	shalt  }
0x76: {  	_ =	shalt  }
0x77: {  	_ =	shalt  }
0x78: {  	_ =	shalt  }
0x79: {  	_ =	shalt  }
0x7a: {  	_ =	shalt  }
0x7b: {  	_ =	shalt  }
0x7c: {  	_ =	shalt  }
0x7d: {  	_ =	shalt  }
0x7e: {  	_ =	shalt  }
0x7f: {  	_ =	shalt  }
0x80: {  	_ =	shalt  }
0x81: {  	_ =	shalt  }
0x82: {  	_ =	shalt  }
0x83: {  	_ =	shalt  }
0x84: {  	_ =	shalt  }
0x85: {  	_ =	shalt  }
0x86: {  	_ =	shalt  }
0x87: {  	_ =	shalt  }
.Lfunc_end0:
.L_simem_size_0:
called_computation_lowered:
.L_overlay_start_0:
0x88: {  	s2 =	sld [smem:$0x3FD9]  }
0x89: {  	s3 =	sld [smem:$0x3FFE];
	_ =	sdelay $0x1  }
0x8a: {  	s1 =	srdreg.scid  }
0x8b: {  	s0 =	sand.u32 $0x1, s1  }
0x8c: {  	s18 =	sshll.u32 s0, $0xA;
	s2 =	sadd.s32 s3, s2  }
0x8d: {  	s2 =	sadd.s32 s2, s18  }
0x8e: {  	[smem:$0x3FC7] =	sst s2  }
0x8f: {  	_ = 	snop  }
0x90: {  	s2 =	sld [smem:$0x3FC9]  }
0x91: {  	s19 =	sld [smem:$0x3FD0];
	(tm) =	ssettm $0x1  }
0x92: {  	s4 =	sld [smem:$0x3FFB];
	_ =	sdelay $0x3  }
0x93: {  	_ =	strace s4  }
0x94: {  	s4 =	sld [smem:$0x3FFC];
	_ =	sdelay $0x3  }
0x95: {  	_ =	strace s4  }
0x96: {  	s4 =	sld [smem:$0x3FFD];
	_ =	sdelay $0x3  }
0x97: {  	_ =	strace s4  }
0x98: {  	_ =	strace $0x8FFFFFFF  }
0x99: {  	s20 =	sld [smem:$0x3FDB];
	_ =	sdelay $0x1  }
0x9a: {  	s5 =	simm.s32 $_scs_section_size  }
0x9b: {  	s6 =	simm.s32 $_size__tile_overlayer_lowered;
	s7 =	simm.s32 $_tile_overlayer_lowered  }
0x9c: {  	s23 =	simm.s32 $0x1BFF;
	s22 =	sshll.u32 s7, $0x1;
	s4 =	sadd.s32 s5, s20  }
0x9d: {  	s8 =	simm.s32 $0x0;
	s21 =	sshll.u32 s6, $0x1;
	s6 =	sadd.s32 s22, s4  }
0x9e: {  	[timem:s8], [sflag:s23] =	dma.local [hbm:s6], s21  }
0x9f: {  	_ =	swait.ge [sflag:s23], s21  }
0xa0: {  	s5 =	ssub.s32 $0x0, s21;
	[sflag:s23] =	ssyncset.done $0x0  }
0xa1: {  	[sflag:s23] =	ssyncadd.s32 s5;
	_ =	sdelay $0x1  }
0xa2: {  	s24 =	simm.s32 $0x1B8B  }
0xa3: {  	_ =	swait.ge [sflag:s24], $0x1  }
0xa4: {  	[sflag:s24] =	ssyncset.done $0x0  }
0xa5: {  	s25 =	simm.s32 $0x1B8E;
	[sflag:s24] =	ssyncadd.s32 $0xFFFFFFFF  }
0xa6: {  	s26 =	simm.s32 $execute0_lowered;
	[smem:$0x3FD2] =	sst s25  }
0xa7: {  	s5 =	sshll.u32 s26, $0x1;
	_ =	strace $0x80000046;
	[dreg:$0x1] =	wrdreg $0xFFFFFFFF  }
0xa8: {  	s28 =	simm.s32 $_size_execute0_lowered;
	s4 =	sadd.s32 s4, s5;
	[dreg:$0x0] =	wrdreg $0x0  }
0xa9: {  	s5 =	sshll.u32 s28, $0x1;
	[dreg:$0x2] =	wrdreg s4  }
0xaa: {  	[dreg:$0x3] =	wrdreg s5  }
0xab: {  	[dreg:$0x4] =	wrdreg $0xC0  }
0xac: {  	_ =	task [dreg:s8], $0x5FFFF  }
0xad: {  	[dreg:$0x1] =	wrdreg $0xFFFFFFFF  }
0xae: {  	[dreg:$0x0] =	wrdreg $0x60  }
0xaf: {  	[dreg:$0x2] =	wrdreg s2  }
0xb0: {  	[dreg:$0x3] =	wrdreg s19  }
0xb1: {  	[dreg:$0x4] =	wrdreg $0x9  }
0xb2: {  	_ =	task.clear_ibuf [dreg:s8], $0x5FFFF;
	_ =	strace $0x90000046  }
0xb3: {  	s29 =	simm.s32 $0x9;
	_ =	strace $0x80000048  }
0xb4: {  	_ =	swait.ge [sflag:s29], $0x1  }
0xb5: {  	[sflag:s29] =	ssyncadd.s32 $0xFFFFFFFF  }
0xb6: {  	_ =	strace $0x90000048  }
0xb7: {  	_ =	sfence  }
0xb8: {  	s30 =	sld [smem:$0x0];
	_ =	sdelay $0x2  }
0xb9: {  	s31 =	sshll.u32 s1, $0xD;
	s1 =	sshrl.u32 s1, $0x2  }
0xba: {  	s3 =	sand.u32 $0x4000, s31;
	s1 =	sadd.s32 s1, s30  }
0xbb: {  	s0 =	sor.u32 s3, s0;
	s1 =	sshll.u32 s1, $0x11  }
0xbc: {  	s0 =	sor.u32 s1, s0  }
0xbd: {  	s0 =	sadd.s32 $0x8F2B, s0  }
0xbe: {  	[sflag:s0] =	ssyncadd.remote.s32 $0x1  }
0xbf: {  	_ =	sfence.sel $0xFFFF  }
0xc0: {  	[dreg:$0x0] =	wrdreg $0xFFFFFFFF;
	(pc) =	sbr.abs _section_cstart, $3  }
0xc1: {  	[dreg:$0x1] =	wrdreg $0xFFFFFFFF  }
0xc2: {  	_ =	task.clear_ibuf [dreg:s8], $0x2FFFF;
	_ =	strace $0x9FFFFFFF  }
0xc3: {  	(tm) =	ssettm $0x7FFFFFFF  }
tec
execute0_lowered:
.L_overlay_start_1:
0x0: {  	(tag) =	ssettag $0x1  }
0x1: {  	s16 =	rddreg [dreg:$0x0]  }
0x2: {  	s17 =	rddreg [dreg:$0x1];
	s2 =	srdreg.scid  }
0x3: {  	s0 =	rddreg [dreg:$0x2];
	s1 =	stileid.u32;
	s22 =	sand.u32 $0x1, s2  }
0x4: {  	s2 =	simm.s32 $0x0;
	s3 =	sshll.u32 s1, $0xF;
	s4 =	sshll.u32 s22, $0xE  }
0x5: {  	[smem:$0x7FF] =	sst s2;
	s18 =	sor.u32 s4, s3  }
0x6: {  	_ =	strace $0x80000047;
	s3 =	sadd.s32 s16, s18;
	s11 =	sor.u32 $0x1800, s18  }
0x7: {  	[tilespmem:s2], [sflag:$0x1] =	stream.linear.gather [hbm4b:s3+s2], $0xC000, $0x38;
	[tilespmem:$0x18000] =	vst v63  }
0x8: {  	s5 =	simm.s32 $0xC000;
	s6 =	simm.s32 $0x1;
	s4 =	sadd.s32 s16, s11  }
0x9: {  	[tilespmem:s5], [sflag:$0x1] =	stream.linear.gather [hbm4b:s4+s2], $0xC000, $0x38;
	[tilespmem:$0x18000] =	vst v63  }
0xa: {  	_ =	swait.ge [sflag:s6], $0xC000  }
0xb: {  	[sflag:s6] =	ssyncset.done $0x0  }
0xc: {  	s7 =	sadd.s32 s17, s18;
	[sflag:s6] =	ssyncadd.s32 $0xFFFF4000  }
0xd: {  	[hbm4b:s7+s2] =	stream.linear.scatter [tilespmem:s2], [sflag:$0x2], $0xC000, $0x38;
	[tilespmem:$0x18000] =	vst v63  }
0xe: {  	s8 =	sadd.s32 $0x80000, s7  }
0xf: {  	[hbm4b:s8+s2] =	stream.linear.scatter [tilespmem:s2], [sflag:$0x2], $0xC000, $0x38;
	[tilespmem:$0x18000] =	vst v63  }
0x10: {  	s9 =	sadd.s32 $0x100000, s7  }
0x11: {  	[hbm4b:s9+s2] =	stream.linear.scatter [tilespmem:s2], [sflag:$0x2], $0xC000, $0x38;
	[tilespmem:$0x18000] =	vst v63  }
0x12: {  	s10 =	sadd.s32 $0x180000, s7  }
0x13: {  	[hbm4b:s10+s2] =	stream.linear.scatter [tilespmem:s2], [sflag:$0x2], $0xC000, $0x38;
	[tilespmem:$0x18000] =	vst v63  }
0x14: {  	_ =	swait.ge [sflag:s6], $0xC000  }
0x15: {  	[sflag:s6] =	ssyncset.done $0x0  }
0x16: {  	s11 =	sadd.s32 s17, s11;
	[sflag:s6] =	ssyncadd.s32 $0xFFFF4000  }
0x17: {  	[hbm4b:s11+s2] =	stream.linear.scatter [tilespmem:s5], [sflag:$0x3], $0xC000, $0x38;
	[tilespmem:$0x18000] =	vst v63  }
0x18: {  	s12 =	sadd.s32 $0x81800, s7  }
0x19: {  	[hbm4b:s12+s2] =	stream.linear.scatter [tilespmem:s5], [sflag:$0x3], $0xC000, $0x38;
	[tilespmem:$0x18000] =	vst v63  }
0x1a: {  	s13 =	sadd.s32 $0x101800, s7  }
0x1b: {  	[hbm4b:s13+s2] =	stream.linear.scatter [tilespmem:s5], [sflag:$0x3], $0xC000, $0x38;
	[tilespmem:$0x18000] =	vst v63  }
0x1c: {  	s14 =	simm.s32 $0x2;
	s15 =	sadd.s32 $0x181800, s7  }
0x1d: {  	[hbm4b:s15+s2] =	stream.linear.scatter [tilespmem:s5], [sflag:$0x3], $0xC000, $0x38;
	[tilespmem:$0x18000] =	vst v63  }
0x1e: {  	_ =	swait.ge [sflag:s14], $0xC000  }
0x1f: {  	[sflag:s14] =	ssyncset.done $0x0  }
0x20: {  	[sflag:s14] =	ssyncadd.s32 $0xFFFF4000  }
0x21: {  	_ =	swait.ge [sflag:s14], $0xC000  }
0x22: {  	[sflag:s14] =	ssyncset.done $0x0  }
0x23: {  	[sflag:s14] =	ssyncadd.s32 $0xFFFF4000  }
0x24: {  	_ =	swait.ge [sflag:s14], $0xC000  }
0x25: {  	[sflag:s14] =	ssyncset.done $0x0  }
0x26: {  	[sflag:s14] =	ssyncadd.s32 $0xFFFF4000  }
0x27: {  	_ =	swait.ge [sflag:s14], $0xC000  }
0x28: {  	s18 =	sor.u32 $0x3000, s18;
	[sflag:s14] =	ssyncset.done $0x0  }
0x29: {  	s16 =	sadd.s32 s16, s18;
	[sflag:s14] =	ssyncadd.s32 $0xFFFF4000  }
0x2a: {  	[tilespmem:s2], [sflag:$0x1] =	stream.linear.gather [hbm4b:s16+s2], $0x8000, $0x38;
	[tilespmem:$0x18000] =	vst v63  }
0x2b: {  	_ =	swait.ge [sflag:s6], $0x8000  }
0x2c: {  	[sflag:s6] =	ssyncset.done $0x0  }
0x2d: {  	s17 =	sadd.s32 s17, s18;
	[sflag:s6] =	ssyncadd.s32 $0xFFFF8000  }
0x2e: {  	[hbm4b:s17+s2] =	stream.linear.scatter [tilespmem:s2], [sflag:$0x2], $0x8000, $0x38;
	[tilespmem:$0x18000] =	vst v63  }
0x2f: {  	s18 =	sadd.s32 $0x83000, s7  }
0x30: {  	[hbm4b:s18+s2] =	stream.linear.scatter [tilespmem:s2], [sflag:$0x2], $0x8000, $0x38;
	[tilespmem:$0x18000] =	vst v63  }
0x31: {  	s19 =	sadd.s32 $0x103000, s7  }
0x32: {  	[hbm4b:s19+s2] =	stream.linear.scatter [tilespmem:s2], [sflag:$0x2], $0x8000, $0x38;
	[tilespmem:$0x18000] =	vst v63  }
0x33: {  	s21 =	simm.s32 $0x3;
	s20 =	sadd.s32 $0x183000, s7  }
0x34: {  	[hbm4b:s20+s2] =	stream.linear.scatter [tilespmem:s2], [sflag:$0x2], $0x8000, $0x38;
	[tilespmem:$0x18000] =	vst v63  }
0x35: {  	_ =	swait.ge [sflag:s21], $0xC000  }
0x36: {  	[sflag:s21] =	ssyncset.done $0x0  }
0x37: {  	[sflag:s21] =	ssyncadd.s32 $0xFFFF4000  }
0x38: {  	_ =	swait.ge [sflag:s21], $0xC000  }
0x39: {  	[sflag:s21] =	ssyncset.done $0x0  }
0x3a: {  	[sflag:s21] =	ssyncadd.s32 $0xFFFF4000  }
0x3b: {  	_ =	swait.ge [sflag:s21], $0xC000  }
0x3c: {  	[sflag:s21] =	ssyncset.done $0x0  }
0x3d: {  	[sflag:s21] =	ssyncadd.s32 $0xFFFF4000  }
0x3e: {  	_ =	swait.ge [sflag:s21], $0xC000  }
0x3f: {  	[sflag:s21] =	ssyncset.done $0x0  }
0x40: {  	[sflag:s21] =	ssyncadd.s32 $0xFFFF4000  }
0x41: {  	_ =	swait.ge [sflag:s14], $0x8000  }
0x42: {  	s22 =	ssub.s32 $0x2, s22;
	[sflag:s14] =	ssyncset.done $0x0  }
0x43: {  	s23 =	sshrl.u32 s22, $0x1;
	[sflag:s14] =	ssyncadd.s32 $0xFFFF8000  }
0x44: {  	s22 =	ssub.s32 s22, s23;
	_ =	swait.ge [sflag:s14], $0x8000  }
0x45: {  	s22 =	smax.u32 s22, $0x1;
	[sflag:s14] =	ssyncset.done $0x0  }
0x46: {  	p0 =	sne.s32 s22, $0x1;
	[sflag:s14] =	ssyncadd.s32 $0xFFFF8000  }
.Ltmp0:
0x47: {  	_ =	swait.ge [sflag:s14], $0x8000;
	(pc) =	sbr.rel @!p0 .LBB2_2-.Ltmp0, $4  }
0x48: {  	[sflag:s14] =	ssyncset.done $0x0  }
0x49: {  	[sflag:s14] =	ssyncadd.s32 $0xFFFF8000  }
0x4a: {  	_ =	swait.ge [sflag:s14], $0x8000  }
0x4b: {  	s22 =	sadd.s32 $0xFFFFFFFF, s22;
	[sflag:s14] =	ssyncset.done $0x0  }
.LBB2_1:
0x4c: {  	p0 =	sne.s32 s22, $0x1;
	s22 =	sadd.s32 $0xFFFFFFFF, s22;
	[sflag:s14] =	ssyncadd.s32 $0xFFFF8000  }
0x4d: {  	[tilespmem:s2], [sflag:$0x1] =	stream.linear.gather [hbm4b:s3+s2], $0xC000, $0x38;
	[tilespmem:$0x18000] =	vst v63  }
0x4e: {  	_ = 	snop  }
0x4f: {  	[tilespmem:s5], [sflag:$0x1] =	stream.linear.gather [hbm4b:s4+s2], $0xC000, $0x38;
	[tilespmem:$0x18000] =	vst v63  }
0x50: {  	_ =	swait.ge [sflag:s6], $0xC000  }
0x51: {  	[sflag:s6] =	ssyncset.done $0x0  }
0x52: {  	[sflag:s6] =	ssyncadd.s32 $0xFFFF4000  }
0x53: {  	[hbm4b:s7+s2] =	stream.linear.scatter [tilespmem:s2], [sflag:$0x2], $0xC000, $0x38;
	[tilespmem:$0x18000] =	vst v63  }
0x54: {  	_ = 	snop  }
0x55: {  	[hbm4b:s8+s2] =	stream.linear.scatter [tilespmem:s2], [sflag:$0x2], $0xC000, $0x38;
	[tilespmem:$0x18000] =	vst v63  }
0x56: {  	_ = 	snop  }
0x57: {  	[hbm4b:s9+s2] =	stream.linear.scatter [tilespmem:s2], [sflag:$0x2], $0xC000, $0x38;
	[tilespmem:$0x18000] =	vst v63  }
0x58: {  	_ = 	snop  }
0x59: {  	[hbm4b:s10+s2] =	stream.linear.scatter [tilespmem:s2], [sflag:$0x2], $0xC000, $0x38;
	[tilespmem:$0x18000] =	vst v63  }
0x5a: {  	_ =	swait.ge [sflag:s6], $0xC000  }
0x5b: {  	[sflag:s6] =	ssyncset.done $0x0  }
0x5c: {  	[sflag:s6] =	ssyncadd.s32 $0xFFFF4000  }
0x5d: {  	[hbm4b:s11+s2] =	stream.linear.scatter [tilespmem:s5], [sflag:$0x3], $0xC000, $0x38;
	[tilespmem:$0x18000] =	vst v63  }
0x5e: {  	_ = 	snop  }
0x5f: {  	[hbm4b:s12+s2] =	stream.linear.scatter [tilespmem:s5], [sflag:$0x3], $0xC000, $0x38;
	[tilespmem:$0x18000] =	vst v63  }
0x60: {  	_ = 	snop  }
0x61: {  	[hbm4b:s13+s2] =	stream.linear.scatter [tilespmem:s5], [sflag:$0x3], $0xC000, $0x38;
	[tilespmem:$0x18000] =	vst v63  }
0x62: {  	_ = 	snop  }
0x63: {  	[hbm4b:s15+s2] =	stream.linear.scatter [tilespmem:s5], [sflag:$0x3], $0xC000, $0x38;
	[tilespmem:$0x18000] =	vst v63  }
0x64: {  	_ =	swait.ge [sflag:s14], $0xC000  }
0x65: {  	[sflag:s14] =	ssyncset.done $0x0  }
0x66: {  	[sflag:s14] =	ssyncadd.s32 $0xFFFF4000  }
0x67: {  	_ =	swait.ge [sflag:s14], $0xC000  }
0x68: {  	[sflag:s14] =	ssyncset.done $0x0  }
0x69: {  	[sflag:s14] =	ssyncadd.s32 $0xFFFF4000  }
0x6a: {  	_ =	swait.ge [sflag:s14], $0xC000  }
0x6b: {  	[sflag:s14] =	ssyncset.done $0x0  }
0x6c: {  	[sflag:s14] =	ssyncadd.s32 $0xFFFF4000  }
0x6d: {  	_ =	swait.ge [sflag:s14], $0xC000  }
0x6e: {  	[sflag:s14] =	ssyncset.done $0x0  }
0x6f: {  	[sflag:s14] =	ssyncadd.s32 $0xFFFF4000  }
0x70: {  	[tilespmem:s2], [sflag:$0x1] =	stream.linear.gather [hbm4b:s16+s2], $0x8000, $0x38;
	[tilespmem:$0x18000] =	vst v63  }
0x71: {  	_ =	swait.ge [sflag:s6], $0x8000  }
0x72: {  	[sflag:s6] =	ssyncset.done $0x0  }
0x73: {  	[sflag:s6] =	ssyncadd.s32 $0xFFFF8000  }
0x74: {  	[hbm4b:s17+s2] =	stream.linear.scatter [tilespmem:s2], [sflag:$0x2], $0x8000, $0x38;
	[tilespmem:$0x18000] =	vst v63  }
0x75: {  	_ = 	snop  }
0x76: {  	[hbm4b:s18+s2] =	stream.linear.scatter [tilespmem:s2], [sflag:$0x2], $0x8000, $0x38;
	[tilespmem:$0x18000] =	vst v63  }
0x77: {  	_ = 	snop  }
0x78: {  	[hbm4b:s19+s2] =	stream.linear.scatter [tilespmem:s2], [sflag:$0x2], $0x8000, $0x38;
	[tilespmem:$0x18000] =	vst v63  }
0x79: {  	_ = 	snop  }
0x7a: {  	[hbm4b:s20+s2] =	stream.linear.scatter [tilespmem:s2], [sflag:$0x2], $0x8000, $0x38;
	[tilespmem:$0x18000] =	vst v63  }
0x7b: {  	_ =	swait.ge [sflag:s21], $0xC000  }
0x7c: {  	[sflag:s21] =	ssyncset.done $0x0  }
0x7d: {  	[sflag:s21] =	ssyncadd.s32 $0xFFFF4000  }
0x7e: {  	_ =	swait.ge [sflag:s21], $0xC000  }
0x7f: {  	[sflag:s21] =	ssyncset.done $0x0  }
0x80: {  	[sflag:s21] =	ssyncadd.s32 $0xFFFF4000  }
0x81: {  	_ =	swait.ge [sflag:s21], $0xC000  }
0x82: {  	[sflag:s21] =	ssyncset.done $0x0  }
0x83: {  	[sflag:s21] =	ssyncadd.s32 $0xFFFF4000  }
0x84: {  	_ =	swait.ge [sflag:s21], $0xC000  }
0x85: {  	[sflag:s21] =	ssyncset.done $0x0  }
0x86: {  	[sflag:s21] =	ssyncadd.s32 $0xFFFF4000  }
0x87: {  	_ =	swait.ge [sflag:s14], $0x8000  }
0x88: {  	[sflag:s14] =	ssyncset.done $0x0  }
0x89: {  	[sflag:s14] =	ssyncadd.s32 $0xFFFF8000  }
0x8a: {  	_ =	swait.ge [sflag:s14], $0x8000  }
0x8b: {  	[sflag:s14] =	ssyncset.done $0x0  }
0x8c: {  	[sflag:s14] =	ssyncadd.s32 $0xFFFF8000  }
.Ltmp1:
0x8d: {  	_ =	swait.ge [sflag:s14], $0x8000;
	(pc) =	sbr.rel @p0 .LBB2_1-.Ltmp1, $4  }
0x8e: {  	[sflag:s14] =	ssyncset.done $0x0  }
0x8f: {  	[sflag:s14] =	ssyncadd.s32 $0xFFFF8000  }
0x90: {  	_ =	swait.ge [sflag:s14], $0x8000  }
0x91: {  	[sflag:s14] =	ssyncset.done $0x0  }
.LBB2_2:
0x92: {  	[sflag:s14] =	ssyncadd.s32 $0xFFFF8000  }
0x93: {  	_ =	sfence.sel $0x180000  }
0x94: {  	[bflag:$0x0] =	sbarrier.arrive $0xFFFF  }
0x95: {  	p0 =	sne.s32 s1, $0x0;
	_ =	strace $0x90000047  }
0x96: {  	s0 =	sadd.s32 @!p0 $0x100000, s0;
	[bflag:$0x2] =	sbarrier.arrive $0xFFFF  }
0x97: {  	[sflag:s0] =	ssyncadd.tile.s32 @!p0 $0x1;
	_ =	shalt  }
.Lfunc_end2:
_tile_overlayer_lowered:
.L_overlay_start_2:
0x98: {  	(tag) =	ssettag $0x2  }
0x99: {  	s0 =	rddreg [dreg:$0x0];
	s2 =	stileid.u32  }
0x9a: {  	s1 =	rddreg [dreg:$0x1];
	p0 =	sne.s32 s2, $0x0  }
0x9b: {  	s3 =	rddreg [dreg:$0x2];
	[bflag:$0x3] =	sbarrier.arrive $0xFFFF;
	s2 =	simm.s32 @!p0 $0x1C04  }
0x9c: {  	[timem:s3], [sflag:s2] =	dma.local @!p0 [hbm:s0], s1  }
0x9d: {  	s0 =	simm.s32 @!p0 $0x4  }
0x9e: {  	_ =	swait.ge @!p0 [sflag:s0], s1  }
0x9f: {  	s1 =	ssub.s32 @!p0 $0x0, s1;
	[sflag:s0] =	ssyncset.done @!p0 $0x0  }
0xa0: {  	[sflag:s0] =	ssyncadd.s32 @!p0 s1  }
0xa1: {  	[bflag:$0x3] =	sbarrier.arrive $0xFFFF  }
0xa2: {  	_ =	shalt  }

</sc_bundles>
